<compile_context>
chip_gen: v7x
topology: tpu7x:2x2x1
jax: 0.10.2.dev20260603
libtpu: 0.0.44.dev20260713+nightly
codegen_flags: <defaults>
</compile_context>

<pallas_src>
import jax
import jax.numpy as jnp
from jax import lax
from jax.experimental import pallas as pl
from jax.experimental.pallas import tpu as pltpu
from jax.experimental.pallas import tpu_sc as plsc

_DECAY = 1.0 - 0.01
_MIN_W = 0.01
_N_NODES = 100000
_N_EDGES = 6400000

_NC, _NS, _L = 2, 16, 16
_NW = _NC * _NS

_BLK = 128
_NBLOCKS = _N_EDGES // _BLK
_BPW_LO = _NBLOCKS // _NW
_CB = 45
_CHUNK = _CB * _BLK
_NBUF = 5
_NGROUPS = -(-(-(-(_BPW_LO + 1) // _CB)) // _NBUF)
_NCHUNKS = _NGROUPS * _NBUF

_PW = _N_NODES // 4
_PSLICE = 1568
_TSLICE = _PSLICE * 4


def _sc_body(w_hbm, idx_hbm, mask_hbm, out_hbm,
             mask_v, raw_sh, pack_sh, tmp_v,
             sd0, w0, sd1, w1, sd2, w2, sd3, w3, sd4, w4,
             sin0, sin1, sin2, sin3, sin4,
             sout0, sout1, sout2, sout3, sout4):
    wid = lax.axis_index("s") * _NC + lax.axis_index("c")
    sid = lax.axis_index("s")
    base_b = wid * _BPW_LO + jnp.minimum(wid, _NW // 2)
    nb = _BPW_LO + jnp.where(wid < _NW // 2, 1, 0)
    bufs = ((sd0, w0, sin0, sout0), (sd1, w1, sin1, sout1),
            (sd2, w2, sin2, sout2), (sd3, w3, sin3, sout3),
            (sd4, w4, sin4, sout4))

    def chunk_off(ci):
        return (base_b + jnp.minimum(ci * _CB, nb - _CB)) * _BLK

    def start_in(ci, b):
        sd_v, w_v, sem_in, _ = bufs[b]
        off = chunk_off(ci)
        pltpu.async_copy(idx_hbm.at[:, pl.ds(off, _CHUNK)], sd_v, sem_in)
        pltpu.async_copy(w_hbm.at[pl.ds(off, _CHUNK)], w_v, sem_in)

    def wait_in(b):
        sd_v, w_v, sem_in, _ = bufs[b]
        pltpu.make_async_copy(idx_hbm.at[:, pl.ds(0, _CHUNK)], sd_v, sem_in).wait()
        pltpu.make_async_copy(w_hbm.at[pl.ds(0, _CHUNK)], w_v, sem_in).wait()

    def start_out(ci, b):
        _, w_v, _, sem_out = bufs[b]
        pltpu.async_copy(w_v, out_hbm.at[pl.ds(chunk_off(ci), _CHUNK)], sem_out)

    def wait_out(b):
        _, w_v, _, sem_out = bufs[b]
        pltpu.make_async_copy(w_v, out_hbm.at[pl.ds(0, _CHUNK)], sem_out).wait()

    def compute(b):
        sd_v, w_v, _, _ = bufs[b]

        @plsc.parallel_loop(0, _CHUNK, step=_L, unroll=8)
        def _(i):
            sl = pl.ds(i, _L)
            s_idx = sd_v[0, sl]
            d_idx = sd_v[1, sl]
            s_word = plsc.load_gather(mask_v, [s_idx >> 2])
            d_word = plsc.load_gather(mask_v, [d_idx >> 2])
            s_act = (s_word >> ((s_idx & 3) << 3)) & 0xFF
            d_act = (d_word >> ((d_idx & 3) << 3)) & 0xFF
            active = (s_act > 0) & (d_act > 0)
            w = w_v[sl]
            decayed = jnp.where(active, w, w * _DECAY)
            w_v[sl] = jnp.where(decayed >= _MIN_W, decayed, 0.0)

    for b in range(_NBUF - 1):
        start_in(b, b)

    @pl.when(sid == 0)
    def _():
        pltpu.sync_copy(mask_hbm, raw_sh)

    plsc.subcore_barrier()

    pslice_start = jnp.minimum(sid * _PSLICE, _PW - _PSLICE)
    pltpu.sync_copy(raw_sh.at[pl.ds(pslice_start * 4, _TSLICE)], tmp_v)
    lanes4 = jax.lax.iota(jnp.int32, _L) * 4

    @plsc.parallel_loop(0, _PSLICE, step=_L, unroll=4)
    def _(i):
        g0 = plsc.load_gather(tmp_v, [lanes4 + 4 * i + 0])
        g1 = plsc.load_gather(tmp_v, [lanes4 + 4 * i + 1])
        g2 = plsc.load_gather(tmp_v, [lanes4 + 4 * i + 2])
        g3 = plsc.load_gather(tmp_v, [lanes4 + 4 * i + 3])
        mask_v[pl.ds(i, _L)] = g0 | (g1 << 8) | (g2 << 16) | (g3 << 24)

    pltpu.sync_copy(mask_v.at[pl.ds(0, _PSLICE)],
                    pack_sh.at[pl.ds(pslice_start, _PSLICE)])
    plsc.subcore_barrier()
    pltpu.sync_copy(pack_sh, mask_v)

    def group_body(p, _):
        for b in range(_NBUF):
            ci = _NBUF * p + b
            nbx = (b + _NBUF - 1) % _NBUF
            wait_in(b)
            compute(b)
            start_out(ci, b)
            if b == 0:
                @pl.when(p > 0)
                def _():
                    wait_out(nbx)
                start_in(ci + _NBUF - 1, nbx)
            else:
                @pl.when(p + 1 < _NGROUPS)
                def _():
                    wait_out(nbx)
                    start_in(ci + _NBUF - 1, nbx)
        return 0

    lax.fori_loop(0, _NGROUPS, group_body, 0)
    for b in range(_NBUF):
        wait_out(b)


@jax.jit
def _run(edge_weight, edge_index, activity_mask):
    mesh = plsc.VectorSubcoreMesh(core_axis_name="c", subcore_axis_name="s")
    return pl.kernel(
        _sc_body,
        out_type=jax.ShapeDtypeStruct((_N_EDGES,), jnp.float32),
        mesh=mesh,
        compiler_params=pltpu.CompilerParams(needs_layout_passes=False),
        scratch_types=[
            pltpu.VMEM((_PW,), jnp.int32),
            pltpu.VMEM_SHARED((_N_NODES,), jnp.int32),
            pltpu.VMEM_SHARED((_PW,), jnp.int32),
            pltpu.VMEM((_TSLICE,), jnp.int32),
            pltpu.VMEM((2, _CHUNK), jnp.int32),
            pltpu.VMEM((_CHUNK,), jnp.float32),
            pltpu.VMEM((2, _CHUNK), jnp.int32),
            pltpu.VMEM((_CHUNK,), jnp.float32),
            pltpu.VMEM((2, _CHUNK), jnp.int32),
            pltpu.VMEM((_CHUNK,), jnp.float32),
            pltpu.VMEM((2, _CHUNK), jnp.int32),
            pltpu.VMEM((_CHUNK,), jnp.float32),
            pltpu.VMEM((2, _CHUNK), jnp.int32),
            pltpu.VMEM((_CHUNK,), jnp.float32),
            pltpu.SemaphoreType.DMA,
            pltpu.SemaphoreType.DMA,
            pltpu.SemaphoreType.DMA,
            pltpu.SemaphoreType.DMA,
            pltpu.SemaphoreType.DMA,
            pltpu.SemaphoreType.DMA,
            pltpu.SemaphoreType.DMA,
            pltpu.SemaphoreType.DMA,
            pltpu.SemaphoreType.DMA,
            pltpu.SemaphoreType.DMA,
        ],
    )(edge_weight, edge_index, activity_mask)


def kernel(edge_weight, edge_activation, edge_index, activity_mask):
    del edge_activation
    return _run(edge_weight, edge_index, activity_mask)

# --- scband reference (transcript-rebuilt; emitter-appended) ---
"""Pipeline reference for scband-structural-decay-7610682049046 (READ-ONLY COPY).

The authoritative reference and input builder live on the scoring server;
editing this copy changes nothing except your own understanding.
"""

import jax, jax.numpy as jnp
import numpy as np

DECAY_RATE = 0.01
MIN_WEIGHT = 0.01
N_NODES = 100000
N_EDGES = 6400000


def setup_inputs(seed: int = 0) -> dict:
    key = jax.random.key(seed)
    k1, k2, k3, k4 = jax.random.split(key, 4)
    # edge_index values in [0, N_NODES); stored int32 under default jax config
    edge_index = jax.random.randint(k1, (2, N_EDGES), 0, N_NODES, dtype=jnp.int32)
    edge_weight = jax.random.uniform(k2, (N_EDGES,), dtype=jnp.float32)
    edge_activation = jax.random.uniform(k3, (N_EDGES,), dtype=jnp.float32) * 10.0
    activity_mask = jax.random.randint(k4, (N_NODES,), 0, 2, dtype=jnp.int32)
    return {
        "edge_weight": edge_weight,
        "edge_activation": edge_activation,
        "edge_index": edge_index,
        "activity_mask": activity_mask,
    }


def reference(edge_weight, edge_activation, edge_index, activity_mask):
    # StructuralDecay.forward -> apply_decay (homeostasis disabled by default).
    # Gather per-node activity to edges (src AND dst must be active).
    src_active = jnp.take(activity_mask, edge_index[0], axis=0) > 0
    dst_active = jnp.take(activity_mask, edge_index[1], axis=0) > 0
    edge_active = src_active & dst_active
    # Inactive edges decay: w *= (1 - decay_rate); active edges untouched.
    decayed = jnp.where(edge_active, edge_weight, edge_weight * (1.0 - DECAY_RATE))
    # Prune edges below min_weight. The original compacts the edge arrays
    # (data-dependent shape); here pruned edges are zeroed to keep static
    # shapes, which is the standard static-shape equivalent.
    keep_mask = decayed >= MIN_WEIGHT
    new_edge_weight = jnp.where(keep_mask, decayed, 0.0)
    return new_edge_weight

if __name__ == "__main__":
    import jax
    _d = setup_inputs()
    print(jax.jit(kernel)(*tuple(_d.values())))

</pallas_src>

<mosaic_0001>
#map = affine_map<(d0, d1) -> (0)>
#map1 = affine_map<(d0, d1) -> (0, 0)>
module attributes {stable_mosaic.version = 14 : i64} {
  func.func @_sc_body(%arg0: i32, %arg1: i32, %arg2: memref<6400000xf32, #tpu.memory_space<hbm>>, %arg3: memref<2x6400000xi32, #tpu.memory_space<hbm>>, %arg4: memref<100000xi32, #tpu.memory_space<hbm>>, %arg5: memref<6400000xf32, #tpu.memory_space<hbm>>, %arg6: memref<25000xi32, #tpu.memory_space<vmem>>, %arg7: memref<100000xi32, #tpu.memory_space<vmem_shared>>, %arg8: memref<25000xi32, #tpu.memory_space<vmem_shared>>, %arg9: memref<6272xi32, #tpu.memory_space<vmem>>, %arg10: memref<2x5760xi32, #tpu.memory_space<vmem>>, %arg11: memref<5760xf32, #tpu.memory_space<vmem>>, %arg12: memref<2x5760xi32, #tpu.memory_space<vmem>>, %arg13: memref<5760xf32, #tpu.memory_space<vmem>>, %arg14: memref<2x5760xi32, #tpu.memory_space<vmem>>, %arg15: memref<5760xf32, #tpu.memory_space<vmem>>, %arg16: memref<2x5760xi32, #tpu.memory_space<vmem>>, %arg17: memref<5760xf32, #tpu.memory_space<vmem>>, %arg18: memref<2x5760xi32, #tpu.memory_space<vmem>>, %arg19: memref<5760xf32, #tpu.memory_space<vmem>>, %arg20: memref<!tpu.dma_semaphore, #tpu.memory_space<semaphore_mem>>, %arg21: memref<!tpu.dma_semaphore, #tpu.memory_space<semaphore_mem>>, %arg22: memref<!tpu.dma_semaphore, #tpu.memory_space<semaphore_mem>>, %arg23: memref<!tpu.dma_semaphore, #tpu.memory_space<semaphore_mem>>, %arg24: memref<!tpu.dma_semaphore, #tpu.memory_space<semaphore_mem>>, %arg25: memref<!tpu.dma_semaphore, #tpu.memory_space<semaphore_mem>>, %arg26: memref<!tpu.dma_semaphore, #tpu.memory_space<semaphore_mem>>, %arg27: memref<!tpu.dma_semaphore, #tpu.memory_space<semaphore_mem>>, %arg28: memref<!tpu.dma_semaphore, #tpu.memory_space<semaphore_mem>>, %arg29: memref<!tpu.dma_semaphore, #tpu.memory_space<semaphore_mem>>) attributes {dimension_semantics = [#tpu.dimension_semantics<core_parallel>, #tpu.dimension_semantics<subcore_parallel>], iteration_bounds = array<i64: 2, 16>, scalar_prefetch = 0 : i64, scratch_operands = 24 : i64, tpu.core_type = #tpu.core_type<sc_vector_subcore>, window_params = [{transform_indices = #map}, {transform_indices = #map1}, {transform_indices = #map}, {transform_indices = #map}]} {
    %mul3A = arith.constant 2 : i32
    %mul3A_0 = arith.muli %arg1, %mul3A : i32
    %add3A = arith.addi %mul3A_0, %arg0 : i32
    %mul3A_1 = arith.constant 1562 : i32
    %mul3A_2 = arith.muli %add3A, %mul3A_1 : i32
    %min3A = arith.constant 16 : i32
    %min3A_3 = arith.minsi %add3A, %min3A : i32
    %add3A_4 = arith.addi %mul3A_2, %min3A_3 : i32
    %lt3A = arith.constant 16 : i32
    %lt3A_5 = arith.cmpi slt, %add3A, %lt3A : i32
    %jit3A = arith.constant 1 : i32
    %jit3A_6 = arith.constant 0 : i32
    %select_n3A = arith.select %lt3A_5, %jit3A, %jit3A_6 : i32
    %add3A_7 = arith.constant 1562 : i32
    %add3A_8 = arith.addi %add3A_7, %select_n3A : i32
    %sub3A = arith.constant 45 : i32
    %sub3A_9 = arith.subi %add3A_8, %sub3A : i32
    %min3A_10 = arith.constant 0 : i32
    %min3A_11 = arith.minsi %min3A_10, %sub3A_9 : i32
    %add3A_12 = arith.addi %add3A_4, %min3A_11 : i32
    %mul3A_13 = arith.constant 128 : i32
    %mul3A_14 = arith.muli %add3A_12, %mul3A_13 : i32
    %dma_start3A = arith.constant 0 : i32
    %dma_start3A_15 = tpu.memref_slice %arg3[%dma_start3A, %mul3A_14] : memref<2x6400000xi32, #tpu.memory_space<hbm>> -> memref<2x5760xi32, #tpu.memory_space<hbm>>
    %dma_start3A_16 = arith.constant 0 : i32
    %dma_start3A_17 = tpu.memref_slice %arg3[%dma_start3A_16, %mul3A_14] : memref<2x6400000xi32, #tpu.memory_space<hbm>> -> memref<2x5760xi32, #tpu.memory_space<hbm>>
    tpu.enqueue_dma source(%dma_start3A_17 : memref<2x5760xi32, #tpu.memory_space<hbm>>) target(%arg10 : memref<2x5760xi32, #tpu.memory_space<vmem>>) target_semaphore(%arg20 : memref<!tpu.dma_semaphore, #tpu.memory_space<semaphore_mem>>)
    %dma_start3A_18 = tpu.memref_slice %arg2[%mul3A_14] : memref<6400000xf32, #tpu.memory_space<hbm>> -> memref<5760xf32, #tpu.memory_space<hbm>>
    %dma_start3A_19 = tpu.memref_slice %arg2[%mul3A_14] : memref<6400000xf32, #tpu.memory_space<hbm>> -> memref<5760xf32, #tpu.memory_space<hbm>>
    tpu.enqueue_dma source(%dma_start3A_19 : memref<5760xf32, #tpu.memory_space<hbm>>) target(%arg11 : memref<5760xf32, #tpu.memory_space<vmem>>) target_semaphore(%arg20 : memref<!tpu.dma_semaphore, #tpu.memory_space<semaphore_mem>>)
    %sub3A_20 = arith.constant 45 : i32
    %sub3A_21 = arith.subi %add3A_8, %sub3A_20 : i32
    %min3A_22 = arith.constant 45 : i32
    %min3A_23 = arith.minsi %min3A_22, %sub3A_21 : i32
    %add3A_24 = arith.addi %add3A_4, %min3A_23 : i32
    %mul3A_25 = arith.constant 128 : i32
    %mul3A_26 = arith.muli %add3A_24, %mul3A_25 : i32
    %dma_start3A_27 = arith.constant 0 : i32
    %dma_start3A_28 = tpu.memref_slice %arg3[%dma_start3A_27, %mul3A_26] : memref<2x6400000xi32, #tpu.memory_space<hbm>> -> memref<2x5760xi32, #tpu.memory_space<hbm>>
    %dma_start3A_29 = arith.constant 0 : i32
    %dma_start3A_30 = tpu.memref_slice %arg3[%dma_start3A_29, %mul3A_26] : memref<2x6400000xi32, #tpu.memory_space<hbm>> -> memref<2x5760xi32, #tpu.memory_space<hbm>>
    tpu.enqueue_dma source(%dma_start3A_30 : memref<2x5760xi32, #tpu.memory_space<hbm>>) target(%arg12 : memref<2x5760xi32, #tpu.memory_space<vmem>>) target_semaphore(%arg21 : memref<!tpu.dma_semaphore, #tpu.memory_space<semaphore_mem>>)
    %dma_start3A_31 = tpu.memref_slice %arg2[%mul3A_26] : memref<6400000xf32, #tpu.memory_space<hbm>> -> memref<5760xf32, #tpu.memory_space<hbm>>
    %dma_start3A_32 = tpu.memref_slice %arg2[%mul3A_26] : memref<6400000xf32, #tpu.memory_space<hbm>> -> memref<5760xf32, #tpu.memory_space<hbm>>
    tpu.enqueue_dma source(%dma_start3A_32 : memref<5760xf32, #tpu.memory_space<hbm>>) target(%arg13 : memref<5760xf32, #tpu.memory_space<vmem>>) target_semaphore(%arg21 : memref<!tpu.dma_semaphore, #tpu.memory_space<semaphore_mem>>)
    %sub3A_33 = arith.constant 45 : i32
    %sub3A_34 = arith.subi %add3A_8, %sub3A_33 : i32
    %min3A_35 = arith.constant 90 : i32
    %min3A_36 = arith.minsi %min3A_35, %sub3A_34 : i32
    %add3A_37 = arith.addi %add3A_4, %min3A_36 : i32
    %mul3A_38 = arith.constant 128 : i32
    %mul3A_39 = arith.muli %add3A_37, %mul3A_38 : i32
    %dma_start3A_40 = arith.constant 0 : i32
    %dma_start3A_41 = tpu.memref_slice %arg3[%dma_start3A_40, %mul3A_39] : memref<2x6400000xi32, #tpu.memory_space<hbm>> -> memref<2x5760xi32, #tpu.memory_space<hbm>>
    %dma_start3A_42 = arith.constant 0 : i32
    %dma_start3A_43 = tpu.memref_slice %arg3[%dma_start3A_42, %mul3A_39] : memref<2x6400000xi32, #tpu.memory_space<hbm>> -> memref<2x5760xi32, #tpu.memory_space<hbm>>
    tpu.enqueue_dma source(%dma_start3A_43 : memref<2x5760xi32, #tpu.memory_space<hbm>>) target(%arg14 : memref<2x5760xi32, #tpu.memory_space<vmem>>) target_semaphore(%arg22 : memref<!tpu.dma_semaphore, #tpu.memory_space<semaphore_mem>>)
    %dma_start3A_44 = tpu.memref_slice %arg2[%mul3A_39] : memref<6400000xf32, #tpu.memory_space<hbm>> -> memref<5760xf32, #tpu.memory_space<hbm>>
    %dma_start3A_45 = tpu.memref_slice %arg2[%mul3A_39] : memref<6400000xf32, #tpu.memory_space<hbm>> -> memref<5760xf32, #tpu.memory_space<hbm>>
    tpu.enqueue_dma source(%dma_start3A_45 : memref<5760xf32, #tpu.memory_space<hbm>>) target(%arg15 : memref<5760xf32, #tpu.memory_space<vmem>>) target_semaphore(%arg22 : memref<!tpu.dma_semaphore, #tpu.memory_space<semaphore_mem>>)
    %sub3A_46 = arith.constant 45 : i32
    %sub3A_47 = arith.subi %add3A_8, %sub3A_46 : i32
    %min3A_48 = arith.constant 135 : i32
    %min3A_49 = arith.minsi %min3A_48, %sub3A_47 : i32
    %add3A_50 = arith.addi %add3A_4, %min3A_49 : i32
    %mul3A_51 = arith.constant 128 : i32
    %mul3A_52 = arith.muli %add3A_50, %mul3A_51 : i32
    %dma_start3A_53 = arith.constant 0 : i32
    %dma_start3A_54 = tpu.memref_slice %arg3[%dma_start3A_53, %mul3A_52] : memref<2x6400000xi32, #tpu.memory_space<hbm>> -> memref<2x5760xi32, #tpu.memory_space<hbm>>
    %dma_start3A_55 = arith.constant 0 : i32
    %dma_start3A_56 = tpu.memref_slice %arg3[%dma_start3A_55, %mul3A_52] : memref<2x6400000xi32, #tpu.memory_space<hbm>> -> memref<2x5760xi32, #tpu.memory_space<hbm>>
    tpu.enqueue_dma source(%dma_start3A_56 : memref<2x5760xi32, #tpu.memory_space<hbm>>) target(%arg16 : memref<2x5760xi32, #tpu.memory_space<vmem>>) target_semaphore(%arg23 : memref<!tpu.dma_semaphore, #tpu.memory_space<semaphore_mem>>)
    %dma_start3A_57 = tpu.memref_slice %arg2[%mul3A_52] : memref<6400000xf32, #tpu.memory_space<hbm>> -> memref<5760xf32, #tpu.memory_space<hbm>>
    %dma_start3A_58 = tpu.memref_slice %arg2[%mul3A_52] : memref<6400000xf32, #tpu.memory_space<hbm>> -> memref<5760xf32, #tpu.memory_space<hbm>>
    tpu.enqueue_dma source(%dma_start3A_58 : memref<5760xf32, #tpu.memory_space<hbm>>) target(%arg17 : memref<5760xf32, #tpu.memory_space<vmem>>) target_semaphore(%arg23 : memref<!tpu.dma_semaphore, #tpu.memory_space<semaphore_mem>>)
    %eq3A = arith.constant 0 : i32
    %eq3A_59 = arith.cmpi eq, %arg1, %eq3A : i32
    %convert_element_type3A = arith.extui %eq3A_59 : i1 to i32
    %cond3A = arith.constant 0 : i32
    %cond3A_60 = arith.cmpi ne, %convert_element_type3A, %cond3A : i32
    scf.if %cond3A_60 {
      "tpu.region"() ({
        %run_scoped3A = tpu.sem_alloc : memref<!tpu.dma_semaphore, #tpu.memory_space<semaphore_mem>>
        tpu.enqueue_dma source(%arg4 : memref<100000xi32, #tpu.memory_space<hbm>>) target(%arg7 : memref<100000xi32, #tpu.memory_space<vmem_shared>>) target_semaphore(%run_scoped3A : memref<!tpu.dma_semaphore, #tpu.memory_space<semaphore_mem>>)
        tpu.wait_dma2 semaphore(%run_scoped3A : memref<!tpu.dma_semaphore, #tpu.memory_space<semaphore_mem>>) src(%arg4 : memref<100000xi32, #tpu.memory_space<hbm>>) dst(%arg7 : memref<100000xi32, #tpu.memory_space<vmem_shared>>)
        tpu.yield
      }) : () -> ()
    } else {
    }
    %barrier3A = arith.constant 0 : index
    tpu.barrier barrier_id(%barrier3A)
    %mul3A_61 = arith.constant 1568 : i32
    %mul3A_62 = arith.muli %arg1, %mul3A_61 : i32
    %min3A_63 = arith.constant 23432 : i32
    %min3A_64 = arith.minsi %mul3A_62, %min3A_63 : i32
    %mul3A_65 = arith.constant 4 : i32
    %mul3A_66 = arith.muli %min3A_64, %mul3A_65 : i32
    "tpu.region"() ({
      %run_scoped3A = tpu.sem_alloc : memref<!tpu.dma_semaphore, #tpu.memory_space<semaphore_mem>>
      %dma_start3A_98 = tpu.memref_slice %arg7[%mul3A_66] : memref<100000xi32, #tpu.memory_space<vmem_shared>> -> memref<6272xi32, #tpu.memory_space<vmem_shared>>
      %dma_start3A_99 = tpu.memref_slice %arg7[%mul3A_66] : memref<100000xi32, #tpu.memory_space<vmem_shared>> -> memref<6272xi32, #tpu.memory_space<vmem_shared>>
      tpu.enqueue_dma source(%dma_start3A_99 : memref<6272xi32, #tpu.memory_space<vmem_shared>>) target(%arg9 : memref<6272xi32, #tpu.memory_space<vmem>>) target_semaphore(%run_scoped3A : memref<!tpu.dma_semaphore, #tpu.memory_space<semaphore_mem>>)
      %dma_wait3A_100 = tpu.memref_slice %arg7[%mul3A_66] : memref<100000xi32, #tpu.memory_space<vmem_shared>> -> memref<6272xi32, #tpu.memory_space<vmem_shared>>
      %dma_wait3A_101 = tpu.memref_slice %arg7[%mul3A_66] : memref<100000xi32, #tpu.memory_space<vmem_shared>> -> memref<6272xi32, #tpu.memory_space<vmem_shared>>
      tpu.wait_dma2 semaphore(%run_scoped3A : memref<!tpu.dma_semaphore, #tpu.memory_space<semaphore_mem>>) src(%dma_wait3A_101 : memref<6272xi32, #tpu.memory_space<vmem_shared>>) dst(%arg9 : memref<6272xi32, #tpu.memory_space<vmem>>)
      tpu.yield
    }) : () -> ()
    %iota3A = tpu.iota {dimensions = array<i32: 0>} : vector<16xi32>
    %mul3A_67 = arith.constant 4 : i32
    %mul3A_68 = vector.broadcast %mul3A_67 : i32 to vector<16xi32>
    %mul3A_69 = arith.muli %iota3A, %mul3A_68 : vector<16xi32>
    %parallel_loop3A = arith.constant 0 : i32
    %parallel_loop3A_70 = arith.constant 1568 : i32
    %parallel_loop3A_71 = arith.constant 16 : i32
    scf.for %parallel_loop3A_98 = %parallel_loop3A to %parallel_loop3A_70 step %parallel_loop3A_71  : i32 {
      %parallel_loop3A_99 = arith.constant 4 : i32
      %parallel_loop3A_100 = arith.muli %parallel_loop3A_99, %parallel_loop3A_98 : i32
      %parallel_loop3A_101 = vector.broadcast %parallel_loop3A_100 : i32 to vector<16xi32>
      %parallel_loop3A_102 = arith.addi %mul3A_69, %parallel_loop3A_101 : vector<16xi32>
      %parallel_loop3A_103 = arith.constant 0 : i32
      %parallel_loop3A_104 = vector.broadcast %parallel_loop3A_103 : i32 to vector<16xi32>
      %parallel_loop3A_105 = arith.addi %parallel_loop3A_102, %parallel_loop3A_104 : vector<16xi32>
      %parallel_loop3A_106 = tpu.vector_load_idx %arg9[%parallel_loop3A_105] : memref<6272xi32, #tpu.memory_space<vmem>>[vector<16xi32>], vector<16xi32>,
      %parallel_loop3A_107 = arith.constant 4 : i32
      %parallel_loop3A_108 = arith.muli %parallel_loop3A_107, %parallel_loop3A_98 : i32
      %parallel_loop3A_109 = vector.broadcast %parallel_loop3A_108 : i32 to vector<16xi32>
      %parallel_loop3A_110 = arith.addi %mul3A_69, %parallel_loop3A_109 : vector<16xi32>
      %parallel_loop3A_111 = arith.constant 1 : i32
      %parallel_loop3A_112 = vector.broadcast %parallel_loop3A_111 : i32 to vector<16xi32>
      %parallel_loop3A_113 = arith.addi %parallel_loop3A_110, %parallel_loop3A_112 : vector<16xi32>
      %parallel_loop3A_114 = tpu.vector_load_idx %arg9[%parallel_loop3A_113] : memref<6272xi32, #tpu.memory_space<vmem>>[vector<16xi32>], vector<16xi32>,
      %parallel_loop3A_115 = arith.constant 4 : i32
      %parallel_loop3A_116 = arith.muli %parallel_loop3A_115, %parallel_loop3A_98 : i32
      %parallel_loop3A_117 = vector.broadcast %parallel_loop3A_116 : i32 to vector<16xi32>
      %parallel_loop3A_118 = arith.addi %mul3A_69, %parallel_loop3A_117 : vector<16xi32>
      %parallel_loop3A_119 = arith.constant 2 : i32
      %parallel_loop3A_120 = vector.broadcast %parallel_loop3A_119 : i32 to vector<16xi32>
      %parallel_loop3A_121 = arith.addi %parallel_loop3A_118, %parallel_loop3A_120 : vector<16xi32>
      %parallel_loop3A_122 = tpu.vector_load_idx %arg9[%parallel_loop3A_121] : memref<6272xi32, #tpu.memory_space<vmem>>[vector<16xi32>], vector<16xi32>,
      %parallel_loop3A_123 = arith.constant 4 : i32
      %parallel_loop3A_124 = arith.muli %parallel_loop3A_123, %parallel_loop3A_98 : i32
      %parallel_loop3A_125 = vector.broadcast %parallel_loop3A_124 : i32 to vector<16xi32>
      %parallel_loop3A_126 = arith.addi %mul3A_69, %parallel_loop3A_125 : vector<16xi32>
      %parallel_loop3A_127 = arith.constant 3 : i32
      %parallel_loop3A_128 = vector.broadcast %parallel_loop3A_127 : i32 to vector<16xi32>
      %parallel_loop3A_129 = arith.addi %parallel_loop3A_126, %parallel_loop3A_128 : vector<16xi32>
      %parallel_loop3A_130 = tpu.vector_load_idx %arg9[%parallel_loop3A_129] : memref<6272xi32, #tpu.memory_space<vmem>>[vector<16xi32>], vector<16xi32>,
      %parallel_loop3A_131 = arith.constant 8 : i32
      %parallel_loop3A_132 = vector.broadcast %parallel_loop3A_131 : i32 to vector<16xi32>
      %parallel_loop3A_133 = arith.shli %parallel_loop3A_114, %parallel_loop3A_132 : vector<16xi32>
      %parallel_loop3A_134 = arith.ori %parallel_loop3A_106, %parallel_loop3A_133 : vector<16xi32>
      %parallel_loop3A_135 = arith.constant 16 : i32
      %parallel_loop3A_136 = vector.broadcast %parallel_loop3A_135 : i32 to vector<16xi32>
      %parallel_loop3A_137 = arith.shli %parallel_loop3A_122, %parallel_loop3A_136 : vector<16xi32>
      %parallel_loop3A_138 = arith.ori %parallel_loop3A_134, %parallel_loop3A_137 : vector<16xi32>
      %parallel_loop3A_139 = arith.constant 24 : i32
      %parallel_loop3A_140 = vector.broadcast %parallel_loop3A_139 : i32 to vector<16xi32>
      %parallel_loop3A_141 = arith.shli %parallel_loop3A_130, %parallel_loop3A_140 : vector<16xi32>
      %parallel_loop3A_142 = arith.ori %parallel_loop3A_138, %parallel_loop3A_141 : vector<16xi32>
      %parallel_loop3A_143 = arith.index_cast %parallel_loop3A_98 : i32 to index
      %parallel_loop3A_144 = tpu.vector_load %arg6[%parallel_loop3A_143] {strides = array<i32>} : memref<25000xi32, #tpu.memory_space<vmem>>, vector<16xi32>,
      tpu.vector_store %arg6[%parallel_loop3A_143], %parallel_loop3A_142 {strides = array<i32>} : memref<25000xi32, #tpu.memory_space<vmem>>, vector<16xi32>,
    } {sc.loop_unroll_factor = 4 : i64, sc.parallel_access}
    "tpu.region"() ({
      %run_scoped3A = tpu.sem_alloc : memref<!tpu.dma_semaphore, #tpu.memory_space<semaphore_mem>>
      %dma_start3A_98 = arith.constant 0 : i32
      %dma_start3A_99 = tpu.memref_slice %arg6[%dma_start3A_98] : memref<25000xi32, #tpu.memory_space<vmem>> -> memref<1568xi32, #tpu.memory_space<vmem>>
      %dma_start3A_100 = tpu.memref_slice %arg8[%min3A_64] : memref<25000xi32, #tpu.memory_space<vmem_shared>> -> memref<1568xi32, #tpu.memory_space<vmem_shared>>
      %dma_start3A_101 = tpu.memref_slice %arg8[%min3A_64] : memref<25000xi32, #tpu.memory_space<vmem_shared>> -> memref<1568xi32, #tpu.memory_space<vmem_shared>>
      %dma_start3A_102 = arith.constant 0 : i32
      %dma_start3A_103 = tpu.memref_slice %arg6[%dma_start3A_102] : memref<25000xi32, #tpu.memory_space<vmem>> -> memref<1568xi32, #tpu.memory_space<vmem>>
      tpu.enqueue_dma source(%dma_start3A_103 : memref<1568xi32, #tpu.memory_space<vmem>>) target(%dma_start3A_101 : memref<1568xi32, #tpu.memory_space<vmem_shared>>) target_semaphore(%run_scoped3A : memref<!tpu.dma_semaphore, #tpu.memory_space<semaphore_mem>>)
      %dma_wait3A_104 = arith.constant 0 : i32
      %dma_wait3A_105 = tpu.memref_slice %arg6[%dma_wait3A_104] : memref<25000xi32, #tpu.memory_space<vmem>> -> memref<1568xi32, #tpu.memory_space<vmem>>
      %dma_wait3A_106 = tpu.memref_slice %arg8[%min3A_64] : memref<25000xi32, #tpu.memory_space<vmem_shared>> -> memref<1568xi32, #tpu.memory_space<vmem_shared>>
      %dma_wait3A_107 = tpu.memref_slice %arg8[%min3A_64] : memref<25000xi32, #tpu.memory_space<vmem_shared>> -> memref<1568xi32, #tpu.memory_space<vmem_shared>>
      %dma_wait3A_108 = arith.constant 0 : i32
      %dma_wait3A_109 = tpu.memref_slice %arg6[%dma_wait3A_108] : memref<25000xi32, #tpu.memory_space<vmem>> -> memref<1568xi32, #tpu.memory_space<vmem>>
      tpu.wait_dma2 semaphore(%run_scoped3A : memref<!tpu.dma_semaphore, #tpu.memory_space<semaphore_mem>>) src(%dma_wait3A_109 : memref<1568xi32, #tpu.memory_space<vmem>>) dst(%dma_wait3A_107 : memref<1568xi32, #tpu.memory_space<vmem_shared>>)
      tpu.yield
    }) : () -> ()
    %barrier3A_72 = arith.constant 0 : index
    tpu.barrier barrier_id(%barrier3A_72)
    "tpu.region"() ({
      %run_scoped3A = tpu.sem_alloc : memref<!tpu.dma_semaphore, #tpu.memory_space<semaphore_mem>>
      tpu.enqueue_dma source(%arg8 : memref<25000xi32, #tpu.memory_space<vmem_shared>>) target(%arg6 : memref<25000xi32, #tpu.memory_space<vmem>>) target_semaphore(%run_scoped3A : memref<!tpu.dma_semaphore, #tpu.memory_space<semaphore_mem>>)
      tpu.wait_dma2 semaphore(%run_scoped3A : memref<!tpu.dma_semaphore, #tpu.memory_space<semaphore_mem>>) src(%arg8 : memref<25000xi32, #tpu.memory_space<vmem_shared>>) dst(%arg6 : memref<25000xi32, #tpu.memory_space<vmem>>)
      tpu.yield
    }) : () -> ()
    %scan3A = arith.constant 0 : i32
    %scan3A_73 = arith.constant 0 : i32
    %scan3A_74 = arith.constant 7 : i32
    %scan3A_75 = arith.addi %scan3A_73, %scan3A_74 : i32
    %scan3A_76 = arith.constant 1 : i32
    %scan3A_77 = scf.for %scan3A_98 = %scan3A_73 to %scan3A_75 step %scan3A_76 iter_args(%scan3A_99 = %scan3A) -> (i32)  : i32 {
      %mul3A_100 = arith.constant 5 : i32
      %mul3A_101 = arith.muli %mul3A_100, %scan3A_98 : i32
      %add3A_102 = arith.constant 0 : i32
      %add3A_103 = arith.addi %mul3A_101, %add3A_102 : i32
      %dma_wait3A_104 = arith.constant 0 : i32
      %dma_wait3A_105 = arith.constant 0 : i32
      %dma_wait3A_106 = tpu.memref_slice %arg3[%dma_wait3A_104, %dma_wait3A_105] : memref<2x6400000xi32, #tpu.memory_space<hbm>> -> memref<2x5760xi32, #tpu.memory_space<hbm>>
      %dma_wait3A_107 = arith.constant 0 : i32
      %dma_wait3A_108 = arith.constant 0 : i32
      %dma_wait3A_109 = tpu.memref_slice %arg3[%dma_wait3A_107, %dma_wait3A_108] : memref<2x6400000xi32, #tpu.memory_space<hbm>> -> memref<2x5760xi32, #tpu.memory_space<hbm>>
      tpu.wait_dma2 semaphore(%arg20 : memref<!tpu.dma_semaphore, #tpu.memory_space<semaphore_mem>>) src(%dma_wait3A_109 : memref<2x5760xi32, #tpu.memory_space<hbm>>) dst(%arg10 : memref<2x5760xi32, #tpu.memory_space<vmem>>)
      %dma_wait3A_110 = arith.constant 0 : i32
      %dma_wait3A_111 = tpu.memref_slice %arg2[%dma_wait3A_110] : memref<6400000xf32, #tpu.memory_space<hbm>> -> memref<5760xf32, #tpu.memory_space<hbm>>
      %dma_wait3A_112 = arith.constant 0 : i32
      %dma_wait3A_113 = tpu.memref_slice %arg2[%dma_wait3A_112] : memref<6400000xf32, #tpu.memory_space<hbm>> -> memref<5760xf32, #tpu.memory_space<hbm>>
      tpu.wait_dma2 semaphore(%arg20 : memref<!tpu.dma_semaphore, #tpu.memory_space<semaphore_mem>>) src(%dma_wait3A_113 : memref<5760xf32, #tpu.memory_space<hbm>>) dst(%arg11 : memref<5760xf32, #tpu.memory_space<vmem>>)
      %parallel_loop3A_114 = arith.constant 0 : i32
      %parallel_loop3A_115 = arith.constant 5760 : i32
      %parallel_loop3A_116 = arith.constant 16 : i32
      scf.for %parallel_loop3A_286 = %parallel_loop3A_114 to %parallel_loop3A_115 step %parallel_loop3A_116  : i32 {
        %parallel_loop3A_287 = arith.constant 0 : i32
        %parallel_loop3A_288 = arith.index_cast %parallel_loop3A_287 : i32 to index
        %parallel_loop3A_289 = arith.index_cast %parallel_loop3A_286 : i32 to index
        %parallel_loop3A_290 = tpu.vector_load %arg10[%parallel_loop3A_288, %parallel_loop3A_289] {strides = array<i32>} : memref<2x5760xi32, #tpu.memory_space<vmem>>, vector<16xi32>,
        %parallel_loop3A_291 = arith.constant 1 : i32
        %parallel_loop3A_292 = arith.index_cast %parallel_loop3A_291 : i32 to index
        %parallel_loop3A_293 = arith.index_cast %parallel_loop3A_286 : i32 to index
        %parallel_loop3A_294 = tpu.vector_load %arg10[%parallel_loop3A_292, %parallel_loop3A_293] {strides = array<i32>} : memref<2x5760xi32, #tpu.memory_space<vmem>>, vector<16xi32>,
        %parallel_loop3A_295 = arith.constant 2 : i32
        %parallel_loop3A_296 = vector.broadcast %parallel_loop3A_295 : i32 to vector<16xi32>
        %parallel_loop3A_297 = arith.shrsi %parallel_loop3A_290, %parallel_loop3A_296 : vector<16xi32>
        %parallel_loop3A_298 = tpu.vector_load_idx %arg6[%parallel_loop3A_297] : memref<25000xi32, #tpu.memory_space<vmem>>[vector<16xi32>], vector<16xi32>,
        %parallel_loop3A_299 = arith.constant 2 : i32
        %parallel_loop3A_300 = vector.broadcast %parallel_loop3A_299 : i32 to vector<16xi32>
        %parallel_loop3A_301 = arith.shrsi %parallel_loop3A_294, %parallel_loop3A_300 : vector<16xi32>
        %parallel_loop3A_302 = tpu.vector_load_idx %arg6[%parallel_loop3A_301] : memref<25000xi32, #tpu.memory_space<vmem>>[vector<16xi32>], vector<16xi32>,
        %parallel_loop3A_303 = arith.constant 3 : i32
        %parallel_loop3A_304 = vector.broadcast %parallel_loop3A_303 : i32 to vector<16xi32>
        %parallel_loop3A_305 = arith.andi %parallel_loop3A_290, %parallel_loop3A_304 : vector<16xi32>
        %parallel_loop3A_306 = arith.constant 3 : i32
        %parallel_loop3A_307 = vector.broadcast %parallel_loop3A_306 : i32 to vector<16xi32>
        %parallel_loop3A_308 = arith.shli %parallel_loop3A_305, %parallel_loop3A_307 : vector<16xi32>
        %parallel_loop3A_309 = arith.shrsi %parallel_loop3A_298, %parallel_loop3A_308 : vector<16xi32>
        %parallel_loop3A_310 = arith.constant 255 : i32
        %parallel_loop3A_311 = vector.broadcast %parallel_loop3A_310 : i32 to vector<16xi32>
        %parallel_loop3A_312 = arith.andi %parallel_loop3A_309, %parallel_loop3A_311 : vector<16xi32>
        %parallel_loop3A_313 = arith.constant 3 : i32
        %parallel_loop3A_314 = vector.broadcast %parallel_loop3A_313 : i32 to vector<16xi32>
        %parallel_loop3A_315 = arith.andi %parallel_loop3A_294, %parallel_loop3A_314 : vector<16xi32>
        %parallel_loop3A_316 = arith.constant 3 : i32
        %parallel_loop3A_317 = vector.broadcast %parallel_loop3A_316 : i32 to vector<16xi32>
        %parallel_loop3A_318 = arith.shli %parallel_loop3A_315, %parallel_loop3A_317 : vector<16xi32>
        %parallel_loop3A_319 = arith.shrsi %parallel_loop3A_302, %parallel_loop3A_318 : vector<16xi32>
        %parallel_loop3A_320 = arith.constant 255 : i32
        %parallel_loop3A_321 = vector.broadcast %parallel_loop3A_320 : i32 to vector<16xi32>
        %parallel_loop3A_322 = arith.andi %parallel_loop3A_319, %parallel_loop3A_321 : vector<16xi32>
        %parallel_loop3A_323 = arith.constant 0 : i32
        %parallel_loop3A_324 = vector.broadcast %parallel_loop3A_323 : i32 to vector<16xi32>
        %parallel_loop3A_325 = arith.cmpi sgt, %parallel_loop3A_312, %parallel_loop3A_324 : vector<16xi32>
        %parallel_loop3A_326 = arith.constant 0 : i32
        %parallel_loop3A_327 = vector.broadcast %parallel_loop3A_326 : i32 to vector<16xi32>
        %parallel_loop3A_328 = arith.cmpi sgt, %parallel_loop3A_322, %parallel_loop3A_327 : vector<16xi32>
        %parallel_loop3A_329 = arith.andi %parallel_loop3A_325, %parallel_loop3A_328 : vector<16xi1>
        %parallel_loop3A_330 = arith.index_cast %parallel_loop3A_286 : i32 to index
        %parallel_loop3A_331 = tpu.vector_load %arg11[%parallel_loop3A_330] {strides = array<i32>} : memref<5760xf32, #tpu.memory_space<vmem>>, vector<16xf32>,
        %parallel_loop3A_332 = arith.constant 9.900000e-01 : f32
        %parallel_loop3A_333 = vector.broadcast %parallel_loop3A_332 : f32 to vector<16xf32>
        %parallel_loop3A_334 = arith.mulf %parallel_loop3A_331, %parallel_loop3A_333 : vector<16xf32>
        %parallel_loop3A_335 = arith.select %parallel_loop3A_329, %parallel_loop3A_331, %parallel_loop3A_334 : vector<16xi1>, vector<16xf32>
        %parallel_loop3A_336 = arith.constant 0.00999999977 : f32
        %parallel_loop3A_337 = vector.broadcast %parallel_loop3A_336 : f32 to vector<16xf32>
        %parallel_loop3A_338 = arith.cmpf oge, %parallel_loop3A_335, %parallel_loop3A_337 : vector<16xf32>
        %parallel_loop3A_339 = arith.constant 0.000000e+00 : f32
        %parallel_loop3A_340 = vector.broadcast %parallel_loop3A_339 : f32 to vector<16xf32>
        %parallel_loop3A_341 = arith.select %parallel_loop3A_338, %parallel_loop3A_335, %parallel_loop3A_340 : vector<16xi1>, vector<16xf32>
        %parallel_loop3A_342 = arith.index_cast %parallel_loop3A_286 : i32 to index
        %parallel_loop3A_343 = tpu.vector_load %arg11[%parallel_loop3A_342] {strides = array<i32>} : memref<5760xf32, #tpu.memory_space<vmem>>, vector<16xf32>,
        tpu.vector_store %arg11[%parallel_loop3A_342], %parallel_loop3A_341 {strides = array<i32>} : memref<5760xf32, #tpu.memory_space<vmem>>, vector<16xf32>,
      } {sc.loop_unroll_factor = 8 : i64, sc.parallel_access}
      %mul3A_117 = arith.constant 45 : i32
      %mul3A_118 = arith.muli %add3A_103, %mul3A_117 : i32
      %sub3A_119 = arith.constant 45 : i32
      %sub3A_120 = arith.subi %add3A_8, %sub3A_119 : i32
      %min3A_121 = arith.minsi %mul3A_118, %sub3A_120 : i32
      %add3A_122 = arith.addi %add3A_4, %min3A_121 : i32
      %mul3A_123 = arith.constant 128 : i32
      %mul3A_124 = arith.muli %add3A_122, %mul3A_123 : i32
      %dma_start3A_125 = tpu.memref_slice %arg5[%mul3A_124] : memref<6400000xf32, #tpu.memory_space<hbm>> -> memref<5760xf32, #tpu.memory_space<hbm>>
      %dma_start3A_126 = tpu.memref_slice %arg5[%mul3A_124] : memref<6400000xf32, #tpu.memory_space<hbm>> -> memref<5760xf32, #tpu.memory_space<hbm>>
      tpu.enqueue_dma source(%arg11 : memref<5760xf32, #tpu.memory_space<vmem>>) target(%dma_start3A_126 : memref<5760xf32, #tpu.memory_space<hbm>>) target_semaphore(%arg25 : memref<!tpu.dma_semaphore, #tpu.memory_space<semaphore_mem>>)
      %gt3A = arith.constant 0 : i32
      %gt3A_127 = arith.cmpi sgt, %scan3A_98, %gt3A : i32
      %convert_element_type3A_128 = arith.extui %gt3A_127 : i1 to i32
      %cond3A_129 = arith.constant 0 : i32
      %cond3A_130 = arith.cmpi ne, %convert_element_type3A_128, %cond3A_129 : i32
      scf.if %cond3A_130 {
        %dma_wait3A_286 = arith.constant 0 : i32
        %dma_wait3A_287 = tpu.memref_slice %arg5[%dma_wait3A_286] : memref<6400000xf32, #tpu.memory_space<hbm>> -> memref<5760xf32, #tpu.memory_space<hbm>>
        %dma_wait3A_288 = arith.constant 0 : i32
        %dma_wait3A_289 = tpu.memref_slice %arg5[%dma_wait3A_288] : memref<6400000xf32, #tpu.memory_space<hbm>> -> memref<5760xf32, #tpu.memory_space<hbm>>
        tpu.wait_dma2 semaphore(%arg29 : memref<!tpu.dma_semaphore, #tpu.memory_space<semaphore_mem>>) src(%arg19 : memref<5760xf32, #tpu.memory_space<vmem>>) dst(%dma_wait3A_289 : memref<5760xf32, #tpu.memory_space<hbm>>)
      } else {
      }
      %add3A_131 = arith.constant 5 : i32
      %add3A_132 = arith.addi %add3A_103, %add3A_131 : i32
      %sub3A_133 = arith.constant 1 : i32
      %sub3A_134 = arith.subi %add3A_132, %sub3A_133 : i32
      %mul3A_135 = arith.constant 45 : i32
      %mul3A_136 = arith.muli %sub3A_134, %mul3A_135 : i32
      %sub3A_137 = arith.constant 45 : i32
      %sub3A_138 = arith.subi %add3A_8, %sub3A_137 : i32
      %min3A_139 = arith.minsi %mul3A_136, %sub3A_138 : i32
      %add3A_140 = arith.addi %add3A_4, %min3A_139 : i32
      %mul3A_141 = arith.constant 128 : i32
      %mul3A_142 = arith.muli %add3A_140, %mul3A_141 : i32
      %dma_start3A_143 = arith.constant 0 : i32
      %dma_start3A_144 = tpu.memref_slice %arg3[%dma_start3A_143, %mul3A_142] : memref<2x6400000xi32, #tpu.memory_space<hbm>> -> memref<2x5760xi32, #tpu.memory_space<hbm>>
      %dma_start3A_145 = arith.constant 0 : i32
      %dma_start3A_146 = tpu.memref_slice %arg3[%dma_start3A_145, %mul3A_142] : memref<2x6400000xi32, #tpu.memory_space<hbm>> -> memref<2x5760xi32, #tpu.memory_space<hbm>>
      tpu.enqueue_dma source(%dma_start3A_146 : memref<2x5760xi32, #tpu.memory_space<hbm>>) target(%arg18 : memref<2x5760xi32, #tpu.memory_space<vmem>>) target_semaphore(%arg24 : memref<!tpu.dma_semaphore, #tpu.memory_space<semaphore_mem>>)
      %dma_start3A_147 = tpu.memref_slice %arg2[%mul3A_142] : memref<6400000xf32, #tpu.memory_space<hbm>> -> memref<5760xf32, #tpu.memory_space<hbm>>
      %dma_start3A_148 = tpu.memref_slice %arg2[%mul3A_142] : memref<6400000xf32, #tpu.memory_space<hbm>> -> memref<5760xf32, #tpu.memory_space<hbm>>
      tpu.enqueue_dma source(%dma_start3A_148 : memref<5760xf32, #tpu.memory_space<hbm>>) target(%arg19 : memref<5760xf32, #tpu.memory_space<vmem>>) target_semaphore(%arg24 : memref<!tpu.dma_semaphore, #tpu.memory_space<semaphore_mem>>)
      %mul3A_149 = arith.constant 5 : i32
      %mul3A_150 = arith.muli %mul3A_149, %scan3A_98 : i32
      %add3A_151 = arith.constant 1 : i32
      %add3A_152 = arith.addi %mul3A_150, %add3A_151 : i32
      %dma_wait3A_153 = arith.constant 0 : i32
      %dma_wait3A_154 = arith.constant 0 : i32
      %dma_wait3A_155 = tpu.memref_slice %arg3[%dma_wait3A_153, %dma_wait3A_154] : memref<2x6400000xi32, #tpu.memory_space<hbm>> -> memref<2x5760xi32, #tpu.memory_space<hbm>>
      %dma_wait3A_156 = arith.constant 0 : i32
      %dma_wait3A_157 = arith.constant 0 : i32
      %dma_wait3A_158 = tpu.memref_slice %arg3[%dma_wait3A_156, %dma_wait3A_157] : memref<2x6400000xi32, #tpu.memory_space<hbm>> -> memref<2x5760xi32, #tpu.memory_space<hbm>>
      tpu.wait_dma2 semaphore(%arg21 : memref<!tpu.dma_semaphore, #tpu.memory_space<semaphore_mem>>) src(%dma_wait3A_158 : memref<2x5760xi32, #tpu.memory_space<hbm>>) dst(%arg12 : memref<2x5760xi32, #tpu.memory_space<vmem>>)
      %dma_wait3A_159 = arith.constant 0 : i32
      %dma_wait3A_160 = tpu.memref_slice %arg2[%dma_wait3A_159] : memref<6400000xf32, #tpu.memory_space<hbm>> -> memref<5760xf32, #tpu.memory_space<hbm>>
      %dma_wait3A_161 = arith.constant 0 : i32
      %dma_wait3A_162 = tpu.memref_slice %arg2[%dma_wait3A_161] : memref<6400000xf32, #tpu.memory_space<hbm>> -> memref<5760xf32, #tpu.memory_space<hbm>>
      tpu.wait_dma2 semaphore(%arg21 : memref<!tpu.dma_semaphore, #tpu.memory_space<semaphore_mem>>) src(%dma_wait3A_162 : memref<5760xf32, #tpu.memory_space<hbm>>) dst(%arg13 : memref<5760xf32, #tpu.memory_space<vmem>>)
      %parallel_loop3A_163 = arith.constant 0 : i32
      %parallel_loop3A_164 = arith.constant 5760 : i32
      %parallel_loop3A_165 = arith.constant 16 : i32
      scf.for %parallel_loop3A_286 = %parallel_loop3A_163 to %parallel_loop3A_164 step %parallel_loop3A_165  : i32 {
        %parallel_loop3A_287 = arith.constant 0 : i32
        %parallel_loop3A_288 = arith.index_cast %parallel_loop3A_287 : i32 to index
        %parallel_loop3A_289 = arith.index_cast %parallel_loop3A_286 : i32 to index
        %parallel_loop3A_290 = tpu.vector_load %arg12[%parallel_loop3A_288, %parallel_loop3A_289] {strides = array<i32>} : memref<2x5760xi32, #tpu.memory_space<vmem>>, vector<16xi32>,
        %parallel_loop3A_291 = arith.constant 1 : i32
        %parallel_loop3A_292 = arith.index_cast %parallel_loop3A_291 : i32 to index
        %parallel_loop3A_293 = arith.index_cast %parallel_loop3A_286 : i32 to index
        %parallel_loop3A_294 = tpu.vector_load %arg12[%parallel_loop3A_292, %parallel_loop3A_293] {strides = array<i32>} : memref<2x5760xi32, #tpu.memory_space<vmem>>, vector<16xi32>,
        %parallel_loop3A_295 = arith.constant 2 : i32
        %parallel_loop3A_296 = vector.broadcast %parallel_loop3A_295 : i32 to vector<16xi32>
        %parallel_loop3A_297 = arith.shrsi %parallel_loop3A_290, %parallel_loop3A_296 : vector<16xi32>
        %parallel_loop3A_298 = tpu.vector_load_idx %arg6[%parallel_loop3A_297] : memref<25000xi32, #tpu.memory_space<vmem>>[vector<16xi32>], vector<16xi32>,
        %parallel_loop3A_299 = arith.constant 2 : i32
        %parallel_loop3A_300 = vector.broadcast %parallel_loop3A_299 : i32 to vector<16xi32>
        %parallel_loop3A_301 = arith.shrsi %parallel_loop3A_294, %parallel_loop3A_300 : vector<16xi32>
        %parallel_loop3A_302 = tpu.vector_load_idx %arg6[%parallel_loop3A_301] : memref<25000xi32, #tpu.memory_space<vmem>>[vector<16xi32>], vector<16xi32>,
        %parallel_loop3A_303 = arith.constant 3 : i32
        %parallel_loop3A_304 = vector.broadcast %parallel_loop3A_303 : i32 to vector<16xi32>
        %parallel_loop3A_305 = arith.andi %parallel_loop3A_290, %parallel_loop3A_304 : vector<16xi32>
        %parallel_loop3A_306 = arith.constant 3 : i32
        %parallel_loop3A_307 = vector.broadcast %parallel_loop3A_306 : i32 to vector<16xi32>
        %parallel_loop3A_308 = arith.shli %parallel_loop3A_305, %parallel_loop3A_307 : vector<16xi32>
        %parallel_loop3A_309 = arith.shrsi %parallel_loop3A_298, %parallel_loop3A_308 : vector<16xi32>
        %parallel_loop3A_310 = arith.constant 255 : i32
        %parallel_loop3A_311 = vector.broadcast %parallel_loop3A_310 : i32 to vector<16xi32>
        %parallel_loop3A_312 = arith.andi %parallel_loop3A_309, %parallel_loop3A_311 : vector<16xi32>
        %parallel_loop3A_313 = arith.constant 3 : i32
        %parallel_loop3A_314 = vector.broadcast %parallel_loop3A_313 : i32 to vector<16xi32>
        %parallel_loop3A_315 = arith.andi %parallel_loop3A_294, %parallel_loop3A_314 : vector<16xi32>
        %parallel_loop3A_316 = arith.constant 3 : i32
        %parallel_loop3A_317 = vector.broadcast %parallel_loop3A_316 : i32 to vector<16xi32>
        %parallel_loop3A_318 = arith.shli %parallel_loop3A_315, %parallel_loop3A_317 : vector<16xi32>
        %parallel_loop3A_319 = arith.shrsi %parallel_loop3A_302, %parallel_loop3A_318 : vector<16xi32>
        %parallel_loop3A_320 = arith.constant 255 : i32
        %parallel_loop3A_321 = vector.broadcast %parallel_loop3A_320 : i32 to vector<16xi32>
        %parallel_loop3A_322 = arith.andi %parallel_loop3A_319, %parallel_loop3A_321 : vector<16xi32>
        %parallel_loop3A_323 = arith.constant 0 : i32
        %parallel_loop3A_324 = vector.broadcast %parallel_loop3A_323 : i32 to vector<16xi32>
        %parallel_loop3A_325 = arith.cmpi sgt, %parallel_loop3A_312, %parallel_loop3A_324 : vector<16xi32>
        %parallel_loop3A_326 = arith.constant 0 : i32
        %parallel_loop3A_327 = vector.broadcast %parallel_loop3A_326 : i32 to vector<16xi32>
        %parallel_loop3A_328 = arith.cmpi sgt, %parallel_loop3A_322, %parallel_loop3A_327 : vector<16xi32>
        %parallel_loop3A_329 = arith.andi %parallel_loop3A_325, %parallel_loop3A_328 : vector<16xi1>
        %parallel_loop3A_330 = arith.index_cast %parallel_loop3A_286 : i32 to index
        %parallel_loop3A_331 = tpu.vector_load %arg13[%parallel_loop3A_330] {strides = array<i32>} : memref<5760xf32, #tpu.memory_space<vmem>>, vector<16xf32>,
        %parallel_loop3A_332 = arith.constant 9.900000e-01 : f32
        %parallel_loop3A_333 = vector.broadcast %parallel_loop3A_332 : f32 to vector<16xf32>
        %parallel_loop3A_334 = arith.mulf %parallel_loop3A_331, %parallel_loop3A_333 : vector<16xf32>
        %parallel_loop3A_335 = arith.select %parallel_loop3A_329, %parallel_loop3A_331, %parallel_loop3A_334 : vector<16xi1>, vector<16xf32>
        %parallel_loop3A_336 = arith.constant 0.00999999977 : f32
        %parallel_loop3A_337 = vector.broadcast %parallel_loop3A_336 : f32 to vector<16xf32>
        %parallel_loop3A_338 = arith.cmpf oge, %parallel_loop3A_335, %parallel_loop3A_337 : vector<16xf32>
        %parallel_loop3A_339 = arith.constant 0.000000e+00 : f32
        %parallel_loop3A_340 = vector.broadcast %parallel_loop3A_339 : f32 to vector<16xf32>
        %parallel_loop3A_341 = arith.select %parallel_loop3A_338, %parallel_loop3A_335, %parallel_loop3A_340 : vector<16xi1>, vector<16xf32>
        %parallel_loop3A_342 = arith.index_cast %parallel_loop3A_286 : i32 to index
        %parallel_loop3A_343 = tpu.vector_load %arg13[%parallel_loop3A_342] {strides = array<i32>} : memref<5760xf32, #tpu.memory_space<vmem>>, vector<16xf32>,
        tpu.vector_store %arg13[%parallel_loop3A_342], %parallel_loop3A_341 {strides = array<i32>} : memref<5760xf32, #tpu.memory_space<vmem>>, vector<16xf32>,
      } {sc.loop_unroll_factor = 8 : i64, sc.parallel_access}
      %mul3A_166 = arith.constant 45 : i32
      %mul3A_167 = arith.muli %add3A_152, %mul3A_166 : i32
      %sub3A_168 = arith.constant 45 : i32
      %sub3A_169 = arith.subi %add3A_8, %sub3A_168 : i32
      %min3A_170 = arith.minsi %mul3A_167, %sub3A_169 : i32
      %add3A_171 = arith.addi %add3A_4, %min3A_170 : i32
      %mul3A_172 = arith.constant 128 : i32
      %mul3A_173 = arith.muli %add3A_171, %mul3A_172 : i32
      %dma_start3A_174 = tpu.memref_slice %arg5[%mul3A_173] : memref<6400000xf32, #tpu.memory_space<hbm>> -> memref<5760xf32, #tpu.memory_space<hbm>>
      %dma_start3A_175 = tpu.memref_slice %arg5[%mul3A_173] : memref<6400000xf32, #tpu.memory_space<hbm>> -> memref<5760xf32, #tpu.memory_space<hbm>>
      tpu.enqueue_dma source(%arg13 : memref<5760xf32, #tpu.memory_space<vmem>>) target(%dma_start3A_175 : memref<5760xf32, #tpu.memory_space<hbm>>) target_semaphore(%arg26 : memref<!tpu.dma_semaphore, #tpu.memory_space<semaphore_mem>>)
      %add3A_176 = arith.constant 1 : i32
      %add3A_177 = arith.addi %scan3A_98, %add3A_176 : i32
      %lt3A_178 = arith.constant 7 : i32
      %lt3A_179 = arith.cmpi slt, %add3A_177, %lt3A_178 : i32
      %convert_element_type3A_180 = arith.extui %lt3A_179 : i1 to i32
      %cond3A_181 = arith.constant 0 : i32
      %cond3A_182 = arith.cmpi ne, %convert_element_type3A_180, %cond3A_181 : i32
      scf.if %cond3A_182 {
        %dma_wait3A_286 = arith.constant 0 : i32
        %dma_wait3A_287 = tpu.memref_slice %arg5[%dma_wait3A_286] : memref<6400000xf32, #tpu.memory_space<hbm>> -> memref<5760xf32, #tpu.memory_space<hbm>>
        %dma_wait3A_288 = arith.constant 0 : i32
        %dma_wait3A_289 = tpu.memref_slice %arg5[%dma_wait3A_288] : memref<6400000xf32, #tpu.memory_space<hbm>> -> memref<5760xf32, #tpu.memory_space<hbm>>
        tpu.wait_dma2 semaphore(%arg25 : memref<!tpu.dma_semaphore, #tpu.memory_space<semaphore_mem>>) src(%arg11 : memref<5760xf32, #tpu.memory_space<vmem>>) dst(%dma_wait3A_289 : memref<5760xf32, #tpu.memory_space<hbm>>)
        %add3A_290 = arith.constant 5 : i32
        %add3A_291 = arith.addi %add3A_152, %add3A_290 : i32
        %sub3A_292 = arith.constant 1 : i32
        %sub3A_293 = arith.subi %add3A_291, %sub3A_292 : i32
        %mul3A_294 = arith.constant 45 : i32
        %mul3A_295 = arith.muli %sub3A_293, %mul3A_294 : i32
        %sub3A_296 = arith.constant 45 : i32
        %sub3A_297 = arith.subi %add3A_8, %sub3A_296 : i32
        %min3A_298 = arith.minsi %mul3A_295, %sub3A_297 : i32
        %add3A_299 = arith.addi %add3A_4, %min3A_298 : i32
        %mul3A_300 = arith.constant 128 : i32
        %mul3A_301 = arith.muli %add3A_299, %mul3A_300 : i32
        %dma_start3A_302 = arith.constant 0 : i32
        %dma_start3A_303 = tpu.memref_slice %arg3[%dma_start3A_302, %mul3A_301] : memref<2x6400000xi32, #tpu.memory_space<hbm>> -> memref<2x5760xi32, #tpu.memory_space<hbm>>
        %dma_start3A_304 = arith.constant 0 : i32
        %dma_start3A_305 = tpu.memref_slice %arg3[%dma_start3A_304, %mul3A_301] : memref<2x6400000xi32, #tpu.memory_space<hbm>> -> memref<2x5760xi32, #tpu.memory_space<hbm>>
        tpu.enqueue_dma source(%dma_start3A_305 : memref<2x5760xi32, #tpu.memory_space<hbm>>) target(%arg10 : memref<2x5760xi32, #tpu.memory_space<vmem>>) target_semaphore(%arg20 : memref<!tpu.dma_semaphore, #tpu.memory_space<semaphore_mem>>)
        %dma_start3A_306 = tpu.memref_slice %arg2[%mul3A_301] : memref<6400000xf32, #tpu.memory_space<hbm>> -> memref<5760xf32, #tpu.memory_space<hbm>>
        %dma_start3A_307 = tpu.memref_slice %arg2[%mul3A_301] : memref<6400000xf32, #tpu.memory_space<hbm>> -> memref<5760xf32, #tpu.memory_space<hbm>>
        tpu.enqueue_dma source(%dma_start3A_307 : memref<5760xf32, #tpu.memory_space<hbm>>) target(%arg11 : memref<5760xf32, #tpu.memory_space<vmem>>) target_semaphore(%arg20 : memref<!tpu.dma_semaphore, #tpu.memory_space<semaphore_mem>>)
      } else {
      }
      %mul3A_183 = arith.constant 5 : i32
      %mul3A_184 = arith.muli %mul3A_183, %scan3A_98 : i32
      %add3A_185 = arith.constant 2 : i32
      %add3A_186 = arith.addi %mul3A_184, %add3A_185 : i32
      %dma_wait3A_187 = arith.constant 0 : i32
      %dma_wait3A_188 = arith.constant 0 : i32
      %dma_wait3A_189 = tpu.memref_slice %arg3[%dma_wait3A_187, %dma_wait3A_188] : memref<2x6400000xi32, #tpu.memory_space<hbm>> -> memref<2x5760xi32, #tpu.memory_space<hbm>>
      %dma_wait3A_190 = arith.constant 0 : i32
      %dma_wait3A_191 = arith.constant 0 : i32
      %dma_wait3A_192 = tpu.memref_slice %arg3[%dma_wait3A_190, %dma_wait3A_191] : memref<2x6400000xi32, #tpu.memory_space<hbm>> -> memref<2x5760xi32, #tpu.memory_space<hbm>>
      tpu.wait_dma2 semaphore(%arg22 : memref<!tpu.dma_semaphore, #tpu.memory_space<semaphore_mem>>) src(%dma_wait3A_192 : memref<2x5760xi32, #tpu.memory_space<hbm>>) dst(%arg14 : memref<2x5760xi32, #tpu.memory_space<vmem>>)
      %dma_wait3A_193 = arith.constant 0 : i32
      %dma_wait3A_194 = tpu.memref_slice %arg2[%dma_wait3A_193] : memref<6400000xf32, #tpu.memory_space<hbm>> -> memref<5760xf32, #tpu.memory_space<hbm>>
      %dma_wait3A_195 = arith.constant 0 : i32
      %dma_wait3A_196 = tpu.memref_slice %arg2[%dma_wait3A_195] : memref<6400000xf32, #tpu.memory_space<hbm>> -> memref<5760xf32, #tpu.memory_space<hbm>>
      tpu.wait_dma2 semaphore(%arg22 : memref<!tpu.dma_semaphore, #tpu.memory_space<semaphore_mem>>) src(%dma_wait3A_196 : memref<5760xf32, #tpu.memory_space<hbm>>) dst(%arg15 : memref<5760xf32, #tpu.memory_space<vmem>>)
      %parallel_loop3A_197 = arith.constant 0 : i32
      %parallel_loop3A_198 = arith.constant 5760 : i32
      %parallel_loop3A_199 = arith.constant 16 : i32
      scf.for %parallel_loop3A_286 = %parallel_loop3A_197 to %parallel_loop3A_198 step %parallel_loop3A_199  : i32 {
        %parallel_loop3A_287 = arith.constant 0 : i32
        %parallel_loop3A_288 = arith.index_cast %parallel_loop3A_287 : i32 to index
        %parallel_loop3A_289 = arith.index_cast %parallel_loop3A_286 : i32 to index
        %parallel_loop3A_290 = tpu.vector_load %arg14[%parallel_loop3A_288, %parallel_loop3A_289] {strides = array<i32>} : memref<2x5760xi32, #tpu.memory_space<vmem>>, vector<16xi32>,
        %parallel_loop3A_291 = arith.constant 1 : i32
        %parallel_loop3A_292 = arith.index_cast %parallel_loop3A_291 : i32 to index
        %parallel_loop3A_293 = arith.index_cast %parallel_loop3A_286 : i32 to index
        %parallel_loop3A_294 = tpu.vector_load %arg14[%parallel_loop3A_292, %parallel_loop3A_293] {strides = array<i32>} : memref<2x5760xi32, #tpu.memory_space<vmem>>, vector<16xi32>,
        %parallel_loop3A_295 = arith.constant 2 : i32
        %parallel_loop3A_296 = vector.broadcast %parallel_loop3A_295 : i32 to vector<16xi32>
        %parallel_loop3A_297 = arith.shrsi %parallel_loop3A_290, %parallel_loop3A_296 : vector<16xi32>
        %parallel_loop3A_298 = tpu.vector_load_idx %arg6[%parallel_loop3A_297] : memref<25000xi32, #tpu.memory_space<vmem>>[vector<16xi32>], vector<16xi32>,
        %parallel_loop3A_299 = arith.constant 2 : i32
        %parallel_loop3A_300 = vector.broadcast %parallel_loop3A_299 : i32 to vector<16xi32>
        %parallel_loop3A_301 = arith.shrsi %parallel_loop3A_294, %parallel_loop3A_300 : vector<16xi32>
        %parallel_loop3A_302 = tpu.vector_load_idx %arg6[%parallel_loop3A_301] : memref<25000xi32, #tpu.memory_space<vmem>>[vector<16xi32>], vector<16xi32>,
        %parallel_loop3A_303 = arith.constant 3 : i32
        %parallel_loop3A_304 = vector.broadcast %parallel_loop3A_303 : i32 to vector<16xi32>
        %parallel_loop3A_305 = arith.andi %parallel_loop3A_290, %parallel_loop3A_304 : vector<16xi32>
        %parallel_loop3A_306 = arith.constant 3 : i32
        %parallel_loop3A_307 = vector.broadcast %parallel_loop3A_306 : i32 to vector<16xi32>
        %parallel_loop3A_308 = arith.shli %parallel_loop3A_305, %parallel_loop3A_307 : vector<16xi32>
        %parallel_loop3A_309 = arith.shrsi %parallel_loop3A_298, %parallel_loop3A_308 : vector<16xi32>
        %parallel_loop3A_310 = arith.constant 255 : i32
        %parallel_loop3A_311 = vector.broadcast %parallel_loop3A_310 : i32 to vector<16xi32>
        %parallel_loop3A_312 = arith.andi %parallel_loop3A_309, %parallel_loop3A_311 : vector<16xi32>
        %parallel_loop3A_313 = arith.constant 3 : i32
        %parallel_loop3A_314 = vector.broadcast %parallel_loop3A_313 : i32 to vector<16xi32>
        %parallel_loop3A_315 = arith.andi %parallel_loop3A_294, %parallel_loop3A_314 : vector<16xi32>
        %parallel_loop3A_316 = arith.constant 3 : i32
        %parallel_loop3A_317 = vector.broadcast %parallel_loop3A_316 : i32 to vector<16xi32>
        %parallel_loop3A_318 = arith.shli %parallel_loop3A_315, %parallel_loop3A_317 : vector<16xi32>
        %parallel_loop3A_319 = arith.shrsi %parallel_loop3A_302, %parallel_loop3A_318 : vector<16xi32>
        %parallel_loop3A_320 = arith.constant 255 : i32
        %parallel_loop3A_321 = vector.broadcast %parallel_loop3A_320 : i32 to vector<16xi32>
        %parallel_loop3A_322 = arith.andi %parallel_loop3A_319, %parallel_loop3A_321 : vector<16xi32>
        %parallel_loop3A_323 = arith.constant 0 : i32
        %parallel_loop3A_324 = vector.broadcast %parallel_loop3A_323 : i32 to vector<16xi32>
        %parallel_loop3A_325 = arith.cmpi sgt, %parallel_loop3A_312, %parallel_loop3A_324 : vector<16xi32>
        %parallel_loop3A_326 = arith.constant 0 : i32
        %parallel_loop3A_327 = vector.broadcast %parallel_loop3A_326 : i32 to vector<16xi32>
        %parallel_loop3A_328 = arith.cmpi sgt, %parallel_loop3A_322, %parallel_loop3A_327 : vector<16xi32>
        %parallel_loop3A_329 = arith.andi %parallel_loop3A_325, %parallel_loop3A_328 : vector<16xi1>
        %parallel_loop3A_330 = arith.index_cast %parallel_loop3A_286 : i32 to index
        %parallel_loop3A_331 = tpu.vector_load %arg15[%parallel_loop3A_330] {strides = array<i32>} : memref<5760xf32, #tpu.memory_space<vmem>>, vector<16xf32>,
        %parallel_loop3A_332 = arith.constant 9.900000e-01 : f32
        %parallel_loop3A_333 = vector.broadcast %parallel_loop3A_332 : f32 to vector<16xf32>
        %parallel_loop3A_334 = arith.mulf %parallel_loop3A_331, %parallel_loop3A_333 : vector<16xf32>
        %parallel_loop3A_335 = arith.select %parallel_loop3A_329, %parallel_loop3A_331, %parallel_loop3A_334 : vector<16xi1>, vector<16xf32>
        %parallel_loop3A_336 = arith.constant 0.00999999977 : f32
        %parallel_loop3A_337 = vector.broadcast %parallel_loop3A_336 : f32 to vector<16xf32>
        %parallel_loop3A_338 = arith.cmpf oge, %parallel_loop3A_335, %parallel_loop3A_337 : vector<16xf32>
        %parallel_loop3A_339 = arith.constant 0.000000e+00 : f32
        %parallel_loop3A_340 = vector.broadcast %parallel_loop3A_339 : f32 to vector<16xf32>
        %parallel_loop3A_341 = arith.select %parallel_loop3A_338, %parallel_loop3A_335, %parallel_loop3A_340 : vector<16xi1>, vector<16xf32>
        %parallel_loop3A_342 = arith.index_cast %parallel_loop3A_286 : i32 to index
        %parallel_loop3A_343 = tpu.vector_load %arg15[%parallel_loop3A_342] {strides = array<i32>} : memref<5760xf32, #tpu.memory_space<vmem>>, vector<16xf32>,
        tpu.vector_store %arg15[%parallel_loop3A_342], %parallel_loop3A_341 {strides = array<i32>} : memref<5760xf32, #tpu.memory_space<vmem>>, vector<16xf32>,
      } {sc.loop_unroll_factor = 8 : i64, sc.parallel_access}
      %mul3A_200 = arith.constant 45 : i32
      %mul3A_201 = arith.muli %add3A_186, %mul3A_200 : i32
      %sub3A_202 = arith.constant 45 : i32
      %sub3A_203 = arith.subi %add3A_8, %sub3A_202 : i32
      %min3A_204 = arith.minsi %mul3A_201, %sub3A_203 : i32
      %add3A_205 = arith.addi %add3A_4, %min3A_204 : i32
      %mul3A_206 = arith.constant 128 : i32
      %mul3A_207 = arith.muli %add3A_205, %mul3A_206 : i32
      %dma_start3A_208 = tpu.memref_slice %arg5[%mul3A_207] : memref<6400000xf32, #tpu.memory_space<hbm>> -> memref<5760xf32, #tpu.memory_space<hbm>>
      %dma_start3A_209 = tpu.memref_slice %arg5[%mul3A_207] : memref<6400000xf32, #tpu.memory_space<hbm>> -> memref<5760xf32, #tpu.memory_space<hbm>>
      tpu.enqueue_dma source(%arg15 : memref<5760xf32, #tpu.memory_space<vmem>>) target(%dma_start3A_209 : memref<5760xf32, #tpu.memory_space<hbm>>) target_semaphore(%arg27 : memref<!tpu.dma_semaphore, #tpu.memory_space<semaphore_mem>>)
      %add3A_210 = arith.constant 1 : i32
      %add3A_211 = arith.addi %scan3A_98, %add3A_210 : i32
      %lt3A_212 = arith.constant 7 : i32
      %lt3A_213 = arith.cmpi slt, %add3A_211, %lt3A_212 : i32
      %convert_element_type3A_214 = arith.extui %lt3A_213 : i1 to i32
      %cond3A_215 = arith.constant 0 : i32
      %cond3A_216 = arith.cmpi ne, %convert_element_type3A_214, %cond3A_215 : i32
      scf.if %cond3A_216 {
        %dma_wait3A_286 = arith.constant 0 : i32
        %dma_wait3A_287 = tpu.memref_slice %arg5[%dma_wait3A_286] : memref<6400000xf32, #tpu.memory_space<hbm>> -> memref<5760xf32, #tpu.memory_space<hbm>>
        %dma_wait3A_288 = arith.constant 0 : i32
        %dma_wait3A_289 = tpu.memref_slice %arg5[%dma_wait3A_288] : memref<6400000xf32, #tpu.memory_space<hbm>> -> memref<5760xf32, #tpu.memory_space<hbm>>
        tpu.wait_dma2 semaphore(%arg26 : memref<!tpu.dma_semaphore, #tpu.memory_space<semaphore_mem>>) src(%arg13 : memref<5760xf32, #tpu.memory_space<vmem>>) dst(%dma_wait3A_289 : memref<5760xf32, #tpu.memory_space<hbm>>)
        %add3A_290 = arith.constant 5 : i32
        %add3A_291 = arith.addi %add3A_186, %add3A_290 : i32
        %sub3A_292 = arith.constant 1 : i32
        %sub3A_293 = arith.subi %add3A_291, %sub3A_292 : i32
        %mul3A_294 = arith.constant 45 : i32
        %mul3A_295 = arith.muli %sub3A_293, %mul3A_294 : i32
        %sub3A_296 = arith.constant 45 : i32
        %sub3A_297 = arith.subi %add3A_8, %sub3A_296 : i32
        %min3A_298 = arith.minsi %mul3A_295, %sub3A_297 : i32
        %add3A_299 = arith.addi %add3A_4, %min3A_298 : i32
        %mul3A_300 = arith.constant 128 : i32
        %mul3A_301 = arith.muli %add3A_299, %mul3A_300 : i32
        %dma_start3A_302 = arith.constant 0 : i32
        %dma_start3A_303 = tpu.memref_slice %arg3[%dma_start3A_302, %mul3A_301] : memref<2x6400000xi32, #tpu.memory_space<hbm>> -> memref<2x5760xi32, #tpu.memory_space<hbm>>
        %dma_start3A_304 = arith.constant 0 : i32
        %dma_start3A_305 = tpu.memref_slice %arg3[%dma_start3A_304, %mul3A_301] : memref<2x6400000xi32, #tpu.memory_space<hbm>> -> memref<2x5760xi32, #tpu.memory_space<hbm>>
        tpu.enqueue_dma source(%dma_start3A_305 : memref<2x5760xi32, #tpu.memory_space<hbm>>) target(%arg12 : memref<2x5760xi32, #tpu.memory_space<vmem>>) target_semaphore(%arg21 : memref<!tpu.dma_semaphore, #tpu.memory_space<semaphore_mem>>)
        %dma_start3A_306 = tpu.memref_slice %arg2[%mul3A_301] : memref<6400000xf32, #tpu.memory_space<hbm>> -> memref<5760xf32, #tpu.memory_space<hbm>>
        %dma_start3A_307 = tpu.memref_slice %arg2[%mul3A_301] : memref<6400000xf32, #tpu.memory_space<hbm>> -> memref<5760xf32, #tpu.memory_space<hbm>>
        tpu.enqueue_dma source(%dma_start3A_307 : memref<5760xf32, #tpu.memory_space<hbm>>) target(%arg13 : memref<5760xf32, #tpu.memory_space<vmem>>) target_semaphore(%arg21 : memref<!tpu.dma_semaphore, #tpu.memory_space<semaphore_mem>>)
      } else {
      }
      %mul3A_217 = arith.constant 5 : i32
      %mul3A_218 = arith.muli %mul3A_217, %scan3A_98 : i32
      %add3A_219 = arith.constant 3 : i32
      %add3A_220 = arith.addi %mul3A_218, %add3A_219 : i32
      %dma_wait3A_221 = arith.constant 0 : i32
      %dma_wait3A_222 = arith.constant 0 : i32
      %dma_wait3A_223 = tpu.memref_slice %arg3[%dma_wait3A_221, %dma_wait3A_222] : memref<2x6400000xi32, #tpu.memory_space<hbm>> -> memref<2x5760xi32, #tpu.memory_space<hbm>>
      %dma_wait3A_224 = arith.constant 0 : i32
      %dma_wait3A_225 = arith.constant 0 : i32
      %dma_wait3A_226 = tpu.memref_slice %arg3[%dma_wait3A_224, %dma_wait3A_225] : memref<2x6400000xi32, #tpu.memory_space<hbm>> -> memref<2x5760xi32, #tpu.memory_space<hbm>>
      tpu.wait_dma2 semaphore(%arg23 : memref<!tpu.dma_semaphore, #tpu.memory_space<semaphore_mem>>) src(%dma_wait3A_226 : memref<2x5760xi32, #tpu.memory_space<hbm>>) dst(%arg16 : memref<2x5760xi32, #tpu.memory_space<vmem>>)
      %dma_wait3A_227 = arith.constant 0 : i32
      %dma_wait3A_228 = tpu.memref_slice %arg2[%dma_wait3A_227] : memref<6400000xf32, #tpu.memory_space<hbm>> -> memref<5760xf32, #tpu.memory_space<hbm>>
      %dma_wait3A_229 = arith.constant 0 : i32
      %dma_wait3A_230 = tpu.memref_slice %arg2[%dma_wait3A_229] : memref<6400000xf32, #tpu.memory_space<hbm>> -> memref<5760xf32, #tpu.memory_space<hbm>>
      tpu.wait_dma2 semaphore(%arg23 : memref<!tpu.dma_semaphore, #tpu.memory_space<semaphore_mem>>) src(%dma_wait3A_230 : memref<5760xf32, #tpu.memory_space<hbm>>) dst(%arg17 : memref<5760xf32, #tpu.memory_space<vmem>>)
      %parallel_loop3A_231 = arith.constant 0 : i32
      %parallel_loop3A_232 = arith.constant 5760 : i32
      %parallel_loop3A_233 = arith.constant 16 : i32
      scf.for %parallel_loop3A_286 = %parallel_loop3A_231 to %parallel_loop3A_232 step %parallel_loop3A_233  : i32 {
        %parallel_loop3A_287 = arith.constant 0 : i32
        %parallel_loop3A_288 = arith.index_cast %parallel_loop3A_287 : i32 to index
        %parallel_loop3A_289 = arith.index_cast %parallel_loop3A_286 : i32 to index
        %parallel_loop3A_290 = tpu.vector_load %arg16[%parallel_loop3A_288, %parallel_loop3A_289] {strides = array<i32>} : memref<2x5760xi32, #tpu.memory_space<vmem>>, vector<16xi32>,
        %parallel_loop3A_291 = arith.constant 1 : i32
        %parallel_loop3A_292 = arith.index_cast %parallel_loop3A_291 : i32 to index
        %parallel_loop3A_293 = arith.index_cast %parallel_loop3A_286 : i32 to index
        %parallel_loop3A_294 = tpu.vector_load %arg16[%parallel_loop3A_292, %parallel_loop3A_293] {strides = array<i32>} : memref<2x5760xi32, #tpu.memory_space<vmem>>, vector<16xi32>,
        %parallel_loop3A_295 = arith.constant 2 : i32
        %parallel_loop3A_296 = vector.broadcast %parallel_loop3A_295 : i32 to vector<16xi32>
        %parallel_loop3A_297 = arith.shrsi %parallel_loop3A_290, %parallel_loop3A_296 : vector<16xi32>
        %parallel_loop3A_298 = tpu.vector_load_idx %arg6[%parallel_loop3A_297] : memref<25000xi32, #tpu.memory_space<vmem>>[vector<16xi32>], vector<16xi32>,
        %parallel_loop3A_299 = arith.constant 2 : i32
        %parallel_loop3A_300 = vector.broadcast %parallel_loop3A_299 : i32 to vector<16xi32>
        %parallel_loop3A_301 = arith.shrsi %parallel_loop3A_294, %parallel_loop3A_300 : vector<16xi32>
        %parallel_loop3A_302 = tpu.vector_load_idx %arg6[%parallel_loop3A_301] : memref<25000xi32, #tpu.memory_space<vmem>>[vector<16xi32>], vector<16xi32>,
        %parallel_loop3A_303 = arith.constant 3 : i32
        %parallel_loop3A_304 = vector.broadcast %parallel_loop3A_303 : i32 to vector<16xi32>
        %parallel_loop3A_305 = arith.andi %parallel_loop3A_290, %parallel_loop3A_304 : vector<16xi32>
        %parallel_loop3A_306 = arith.constant 3 : i32
        %parallel_loop3A_307 = vector.broadcast %parallel_loop3A_306 : i32 to vector<16xi32>
        %parallel_loop3A_308 = arith.shli %parallel_loop3A_305, %parallel_loop3A_307 : vector<16xi32>
        %parallel_loop3A_309 = arith.shrsi %parallel_loop3A_298, %parallel_loop3A_308 : vector<16xi32>
        %parallel_loop3A_310 = arith.constant 255 : i32
        %parallel_loop3A_311 = vector.broadcast %parallel_loop3A_310 : i32 to vector<16xi32>
        %parallel_loop3A_312 = arith.andi %parallel_loop3A_309, %parallel_loop3A_311 : vector<16xi32>
        %parallel_loop3A_313 = arith.constant 3 : i32
        %parallel_loop3A_314 = vector.broadcast %parallel_loop3A_313 : i32 to vector<16xi32>
        %parallel_loop3A_315 = arith.andi %parallel_loop3A_294, %parallel_loop3A_314 : vector<16xi32>
        %parallel_loop3A_316 = arith.constant 3 : i32
        %parallel_loop3A_317 = vector.broadcast %parallel_loop3A_316 : i32 to vector<16xi32>
        %parallel_loop3A_318 = arith.shli %parallel_loop3A_315, %parallel_loop3A_317 : vector<16xi32>
        %parallel_loop3A_319 = arith.shrsi %parallel_loop3A_302, %parallel_loop3A_318 : vector<16xi32>
        %parallel_loop3A_320 = arith.constant 255 : i32
        %parallel_loop3A_321 = vector.broadcast %parallel_loop3A_320 : i32 to vector<16xi32>
        %parallel_loop3A_322 = arith.andi %parallel_loop3A_319, %parallel_loop3A_321 : vector<16xi32>
        %parallel_loop3A_323 = arith.constant 0 : i32
        %parallel_loop3A_324 = vector.broadcast %parallel_loop3A_323 : i32 to vector<16xi32>
        %parallel_loop3A_325 = arith.cmpi sgt, %parallel_loop3A_312, %parallel_loop3A_324 : vector<16xi32>
        %parallel_loop3A_326 = arith.constant 0 : i32
        %parallel_loop3A_327 = vector.broadcast %parallel_loop3A_326 : i32 to vector<16xi32>
        %parallel_loop3A_328 = arith.cmpi sgt, %parallel_loop3A_322, %parallel_loop3A_327 : vector<16xi32>
        %parallel_loop3A_329 = arith.andi %parallel_loop3A_325, %parallel_loop3A_328 : vector<16xi1>
        %parallel_loop3A_330 = arith.index_cast %parallel_loop3A_286 : i32 to index
        %parallel_loop3A_331 = tpu.vector_load %arg17[%parallel_loop3A_330] {strides = array<i32>} : memref<5760xf32, #tpu.memory_space<vmem>>, vector<16xf32>,
        %parallel_loop3A_332 = arith.constant 9.900000e-01 : f32
        %parallel_loop3A_333 = vector.broadcast %parallel_loop3A_332 : f32 to vector<16xf32>
        %parallel_loop3A_334 = arith.mulf %parallel_loop3A_331, %parallel_loop3A_333 : vector<16xf32>
        %parallel_loop3A_335 = arith.select %parallel_loop3A_329, %parallel_loop3A_331, %parallel_loop3A_334 : vector<16xi1>, vector<16xf32>
        %parallel_loop3A_336 = arith.constant 0.00999999977 : f32
        %parallel_loop3A_337 = vector.broadcast %parallel_loop3A_336 : f32 to vector<16xf32>
        %parallel_loop3A_338 = arith.cmpf oge, %parallel_loop3A_335, %parallel_loop3A_337 : vector<16xf32>
        %parallel_loop3A_339 = arith.constant 0.000000e+00 : f32
        %parallel_loop3A_340 = vector.broadcast %parallel_loop3A_339 : f32 to vector<16xf32>
        %parallel_loop3A_341 = arith.select %parallel_loop3A_338, %parallel_loop3A_335, %parallel_loop3A_340 : vector<16xi1>, vector<16xf32>
        %parallel_loop3A_342 = arith.index_cast %parallel_loop3A_286 : i32 to index
        %parallel_loop3A_343 = tpu.vector_load %arg17[%parallel_loop3A_342] {strides = array<i32>} : memref<5760xf32, #tpu.memory_space<vmem>>, vector<16xf32>,
        tpu.vector_store %arg17[%parallel_loop3A_342], %parallel_loop3A_341 {strides = array<i32>} : memref<5760xf32, #tpu.memory_space<vmem>>, vector<16xf32>,
      } {sc.loop_unroll_factor = 8 : i64, sc.parallel_access}
      %mul3A_234 = arith.constant 45 : i32
      %mul3A_235 = arith.muli %add3A_220, %mul3A_234 : i32
      %sub3A_236 = arith.constant 45 : i32
      %sub3A_237 = arith.subi %add3A_8, %sub3A_236 : i32
      %min3A_238 = arith.minsi %mul3A_235, %sub3A_237 : i32
      %add3A_239 = arith.addi %add3A_4, %min3A_238 : i32
      %mul3A_240 = arith.constant 128 : i32
      %mul3A_241 = arith.muli %add3A_239, %mul3A_240 : i32
      %dma_start3A_242 = tpu.memref_slice %arg5[%mul3A_241] : memref<6400000xf32, #tpu.memory_space<hbm>> -> memref<5760xf32, #tpu.memory_space<hbm>>
      %dma_start3A_243 = tpu.memref_slice %arg5[%mul3A_241] : memref<6400000xf32, #tpu.memory_space<hbm>> -> memref<5760xf32, #tpu.memory_space<hbm>>
      tpu.enqueue_dma source(%arg17 : memref<5760xf32, #tpu.memory_space<vmem>>) target(%dma_start3A_243 : memref<5760xf32, #tpu.memory_space<hbm>>) target_semaphore(%arg28 : memref<!tpu.dma_semaphore, #tpu.memory_space<semaphore_mem>>)
      %add3A_244 = arith.constant 1 : i32
      %add3A_245 = arith.addi %scan3A_98, %add3A_244 : i32
      %lt3A_246 = arith.constant 7 : i32
      %lt3A_247 = arith.cmpi slt, %add3A_245, %lt3A_246 : i32
      %convert_element_type3A_248 = arith.extui %lt3A_247 : i1 to i32
      %cond3A_249 = arith.constant 0 : i32
      %cond3A_250 = arith.cmpi ne, %convert_element_type3A_248, %cond3A_249 : i32
      scf.if %cond3A_250 {
        %dma_wait3A_286 = arith.constant 0 : i32
        %dma_wait3A_287 = tpu.memref_slice %arg5[%dma_wait3A_286] : memref<6400000xf32, #tpu.memory_space<hbm>> -> memref<5760xf32, #tpu.memory_space<hbm>>
        %dma_wait3A_288 = arith.constant 0 : i32
        %dma_wait3A_289 = tpu.memref_slice %arg5[%dma_wait3A_288] : memref<6400000xf32, #tpu.memory_space<hbm>> -> memref<5760xf32, #tpu.memory_space<hbm>>
        tpu.wait_dma2 semaphore(%arg27 : memref<!tpu.dma_semaphore, #tpu.memory_space<semaphore_mem>>) src(%arg15 : memref<5760xf32, #tpu.memory_space<vmem>>) dst(%dma_wait3A_289 : memref<5760xf32, #tpu.memory_space<hbm>>)
        %add3A_290 = arith.constant 5 : i32
        %add3A_291 = arith.addi %add3A_220, %add3A_290 : i32
        %sub3A_292 = arith.constant 1 : i32
        %sub3A_293 = arith.subi %add3A_291, %sub3A_292 : i32
        %mul3A_294 = arith.constant 45 : i32
        %mul3A_295 = arith.muli %sub3A_293, %mul3A_294 : i32
        %sub3A_296 = arith.constant 45 : i32
        %sub3A_297 = arith.subi %add3A_8, %sub3A_296 : i32
        %min3A_298 = arith.minsi %mul3A_295, %sub3A_297 : i32
        %add3A_299 = arith.addi %add3A_4, %min3A_298 : i32
        %mul3A_300 = arith.constant 128 : i32
        %mul3A_301 = arith.muli %add3A_299, %mul3A_300 : i32
        %dma_start3A_302 = arith.constant 0 : i32
        %dma_start3A_303 = tpu.memref_slice %arg3[%dma_start3A_302, %mul3A_301] : memref<2x6400000xi32, #tpu.memory_space<hbm>> -> memref<2x5760xi32, #tpu.memory_space<hbm>>
        %dma_start3A_304 = arith.constant 0 : i32
        %dma_start3A_305 = tpu.memref_slice %arg3[%dma_start3A_304, %mul3A_301] : memref<2x6400000xi32, #tpu.memory_space<hbm>> -> memref<2x5760xi32, #tpu.memory_space<hbm>>
        tpu.enqueue_dma source(%dma_start3A_305 : memref<2x5760xi32, #tpu.memory_space<hbm>>) target(%arg14 : memref<2x5760xi32, #tpu.memory_space<vmem>>) target_semaphore(%arg22 : memref<!tpu.dma_semaphore, #tpu.memory_space<semaphore_mem>>)
        %dma_start3A_306 = tpu.memref_slice %arg2[%mul3A_301] : memref<6400000xf32, #tpu.memory_space<hbm>> -> memref<5760xf32, #tpu.memory_space<hbm>>
        %dma_start3A_307 = tpu.memref_slice %arg2[%mul3A_301] : memref<6400000xf32, #tpu.memory_space<hbm>> -> memref<5760xf32, #tpu.memory_space<hbm>>
        tpu.enqueue_dma source(%dma_start3A_307 : memref<5760xf32, #tpu.memory_space<hbm>>) target(%arg15 : memref<5760xf32, #tpu.memory_space<vmem>>) target_semaphore(%arg22 : memref<!tpu.dma_semaphore, #tpu.memory_space<semaphore_mem>>)
      } else {
      }
      %mul3A_251 = arith.constant 5 : i32
      %mul3A_252 = arith.muli %mul3A_251, %scan3A_98 : i32
      %add3A_253 = arith.constant 4 : i32
      %add3A_254 = arith.addi %mul3A_252, %add3A_253 : i32
      %dma_wait3A_255 = arith.constant 0 : i32
      %dma_wait3A_256 = arith.constant 0 : i32
      %dma_wait3A_257 = tpu.memref_slice %arg3[%dma_wait3A_255, %dma_wait3A_256] : memref<2x6400000xi32, #tpu.memory_space<hbm>> -> memref<2x5760xi32, #tpu.memory_space<hbm>>
      %dma_wait3A_258 = arith.constant 0 : i32
      %dma_wait3A_259 = arith.constant 0 : i32
      %dma_wait3A_260 = tpu.memref_slice %arg3[%dma_wait3A_258, %dma_wait3A_259] : memref<2x6400000xi32, #tpu.memory_space<hbm>> -> memref<2x5760xi32, #tpu.memory_space<hbm>>
      tpu.wait_dma2 semaphore(%arg24 : memref<!tpu.dma_semaphore, #tpu.memory_space<semaphore_mem>>) src(%dma_wait3A_260 : memref<2x5760xi32, #tpu.memory_space<hbm>>) dst(%arg18 : memref<2x5760xi32, #tpu.memory_space<vmem>>)
      %dma_wait3A_261 = arith.constant 0 : i32
      %dma_wait3A_262 = tpu.memref_slice %arg2[%dma_wait3A_261] : memref<6400000xf32, #tpu.memory_space<hbm>> -> memref<5760xf32, #tpu.memory_space<hbm>>
      %dma_wait3A_263 = arith.constant 0 : i32
      %dma_wait3A_264 = tpu.memref_slice %arg2[%dma_wait3A_263] : memref<6400000xf32, #tpu.memory_space<hbm>> -> memref<5760xf32, #tpu.memory_space<hbm>>
      tpu.wait_dma2 semaphore(%arg24 : memref<!tpu.dma_semaphore, #tpu.memory_space<semaphore_mem>>) src(%dma_wait3A_264 : memref<5760xf32, #tpu.memory_space<hbm>>) dst(%arg19 : memref<5760xf32, #tpu.memory_space<vmem>>)
      %parallel_loop3A_265 = arith.constant 0 : i32
      %parallel_loop3A_266 = arith.constant 5760 : i32
      %parallel_loop3A_267 = arith.constant 16 : i32
      scf.for %parallel_loop3A_286 = %parallel_loop3A_265 to %parallel_loop3A_266 step %parallel_loop3A_267  : i32 {
        %parallel_loop3A_287 = arith.constant 0 : i32
        %parallel_loop3A_288 = arith.index_cast %parallel_loop3A_287 : i32 to index
        %parallel_loop3A_289 = arith.index_cast %parallel_loop3A_286 : i32 to index
        %parallel_loop3A_290 = tpu.vector_load %arg18[%parallel_loop3A_288, %parallel_loop3A_289] {strides = array<i32>} : memref<2x5760xi32, #tpu.memory_space<vmem>>, vector<16xi32>,
        %parallel_loop3A_291 = arith.constant 1 : i32
        %parallel_loop3A_292 = arith.index_cast %parallel_loop3A_291 : i32 to index
        %parallel_loop3A_293 = arith.index_cast %parallel_loop3A_286 : i32 to index
        %parallel_loop3A_294 = tpu.vector_load %arg18[%parallel_loop3A_292, %parallel_loop3A_293] {strides = array<i32>} : memref<2x5760xi32, #tpu.memory_space<vmem>>, vector<16xi32>,
        %parallel_loop3A_295 = arith.constant 2 : i32
        %parallel_loop3A_296 = vector.broadcast %parallel_loop3A_295 : i32 to vector<16xi32>
        %parallel_loop3A_297 = arith.shrsi %parallel_loop3A_290, %parallel_loop3A_296 : vector<16xi32>
        %parallel_loop3A_298 = tpu.vector_load_idx %arg6[%parallel_loop3A_297] : memref<25000xi32, #tpu.memory_space<vmem>>[vector<16xi32>], vector<16xi32>,
        %parallel_loop3A_299 = arith.constant 2 : i32
        %parallel_loop3A_300 = vector.broadcast %parallel_loop3A_299 : i32 to vector<16xi32>
        %parallel_loop3A_301 = arith.shrsi %parallel_loop3A_294, %parallel_loop3A_300 : vector<16xi32>
        %parallel_loop3A_302 = tpu.vector_load_idx %arg6[%parallel_loop3A_301] : memref<25000xi32, #tpu.memory_space<vmem>>[vector<16xi32>], vector<16xi32>,
        %parallel_loop3A_303 = arith.constant 3 : i32
        %parallel_loop3A_304 = vector.broadcast %parallel_loop3A_303 : i32 to vector<16xi32>
        %parallel_loop3A_305 = arith.andi %parallel_loop3A_290, %parallel_loop3A_304 : vector<16xi32>
        %parallel_loop3A_306 = arith.constant 3 : i32
        %parallel_loop3A_307 = vector.broadcast %parallel_loop3A_306 : i32 to vector<16xi32>
        %parallel_loop3A_308 = arith.shli %parallel_loop3A_305, %parallel_loop3A_307 : vector<16xi32>
        %parallel_loop3A_309 = arith.shrsi %parallel_loop3A_298, %parallel_loop3A_308 : vector<16xi32>
        %parallel_loop3A_310 = arith.constant 255 : i32
        %parallel_loop3A_311 = vector.broadcast %parallel_loop3A_310 : i32 to vector<16xi32>
        %parallel_loop3A_312 = arith.andi %parallel_loop3A_309, %parallel_loop3A_311 : vector<16xi32>
        %parallel_loop3A_313 = arith.constant 3 : i32
        %parallel_loop3A_314 = vector.broadcast %parallel_loop3A_313 : i32 to vector<16xi32>
        %parallel_loop3A_315 = arith.andi %parallel_loop3A_294, %parallel_loop3A_314 : vector<16xi32>
        %parallel_loop3A_316 = arith.constant 3 : i32
        %parallel_loop3A_317 = vector.broadcast %parallel_loop3A_316 : i32 to vector<16xi32>
        %parallel_loop3A_318 = arith.shli %parallel_loop3A_315, %parallel_loop3A_317 : vector<16xi32>
        %parallel_loop3A_319 = arith.shrsi %parallel_loop3A_302, %parallel_loop3A_318 : vector<16xi32>
        %parallel_loop3A_320 = arith.constant 255 : i32
        %parallel_loop3A_321 = vector.broadcast %parallel_loop3A_320 : i32 to vector<16xi32>
        %parallel_loop3A_322 = arith.andi %parallel_loop3A_319, %parallel_loop3A_321 : vector<16xi32>
        %parallel_loop3A_323 = arith.constant 0 : i32
        %parallel_loop3A_324 = vector.broadcast %parallel_loop3A_323 : i32 to vector<16xi32>
        %parallel_loop3A_325 = arith.cmpi sgt, %parallel_loop3A_312, %parallel_loop3A_324 : vector<16xi32>
        %parallel_loop3A_326 = arith.constant 0 : i32
        %parallel_loop3A_327 = vector.broadcast %parallel_loop3A_326 : i32 to vector<16xi32>
        %parallel_loop3A_328 = arith.cmpi sgt, %parallel_loop3A_322, %parallel_loop3A_327 : vector<16xi32>
        %parallel_loop3A_329 = arith.andi %parallel_loop3A_325, %parallel_loop3A_328 : vector<16xi1>
        %parallel_loop3A_330 = arith.index_cast %parallel_loop3A_286 : i32 to index
        %parallel_loop3A_331 = tpu.vector_load %arg19[%parallel_loop3A_330] {strides = array<i32>} : memref<5760xf32, #tpu.memory_space<vmem>>, vector<16xf32>,
        %parallel_loop3A_332 = arith.constant 9.900000e-01 : f32
        %parallel_loop3A_333 = vector.broadcast %parallel_loop3A_332 : f32 to vector<16xf32>
        %parallel_loop3A_334 = arith.mulf %parallel_loop3A_331, %parallel_loop3A_333 : vector<16xf32>
        %parallel_loop3A_335 = arith.select %parallel_loop3A_329, %parallel_loop3A_331, %parallel_loop3A_334 : vector<16xi1>, vector<16xf32>
        %parallel_loop3A_336 = arith.constant 0.00999999977 : f32
        %parallel_loop3A_337 = vector.broadcast %parallel_loop3A_336 : f32 to vector<16xf32>
        %parallel_loop3A_338 = arith.cmpf oge, %parallel_loop3A_335, %parallel_loop3A_337 : vector<16xf32>
        %parallel_loop3A_339 = arith.constant 0.000000e+00 : f32
        %parallel_loop3A_340 = vector.broadcast %parallel_loop3A_339 : f32 to vector<16xf32>
        %parallel_loop3A_341 = arith.select %parallel_loop3A_338, %parallel_loop3A_335, %parallel_loop3A_340 : vector<16xi1>, vector<16xf32>
        %parallel_loop3A_342 = arith.index_cast %parallel_loop3A_286 : i32 to index
        %parallel_loop3A_343 = tpu.vector_load %arg19[%parallel_loop3A_342] {strides = array<i32>} : memref<5760xf32, #tpu.memory_space<vmem>>, vector<16xf32>,
        tpu.vector_store %arg19[%parallel_loop3A_342], %parallel_loop3A_341 {strides = array<i32>} : memref<5760xf32, #tpu.memory_space<vmem>>, vector<16xf32>,
      } {sc.loop_unroll_factor = 8 : i64, sc.parallel_access}
      %mul3A_268 = arith.constant 45 : i32
      %mul3A_269 = arith.muli %add3A_254, %mul3A_268 : i32
      %sub3A_270 = arith.constant 45 : i32
      %sub3A_271 = arith.subi %add3A_8, %sub3A_270 : i32
      %min3A_272 = arith.minsi %mul3A_269, %sub3A_271 : i32
      %add3A_273 = arith.addi %add3A_4, %min3A_272 : i32
      %mul3A_274 = arith.constant 128 : i32
      %mul3A_275 = arith.muli %add3A_273, %mul3A_274 : i32
      %dma_start3A_276 = tpu.memref_slice %arg5[%mul3A_275] : memref<6400000xf32, #tpu.memory_space<hbm>> -> memref<5760xf32, #tpu.memory_space<hbm>>
      %dma_start3A_277 = tpu.memref_slice %arg5[%mul3A_275] : memref<6400000xf32, #tpu.memory_space<hbm>> -> memref<5760xf32, #tpu.memory_space<hbm>>
      tpu.enqueue_dma source(%arg19 : memref<5760xf32, #tpu.memory_space<vmem>>) target(%dma_start3A_277 : memref<5760xf32, #tpu.memory_space<hbm>>) target_semaphore(%arg29 : memref<!tpu.dma_semaphore, #tpu.memory_space<semaphore_mem>>)
      %add3A_278 = arith.constant 1 : i32
      %add3A_279 = arith.addi %scan3A_98, %add3A_278 : i32
      %lt3A_280 = arith.constant 7 : i32
      %lt3A_281 = arith.cmpi slt, %add3A_279, %lt3A_280 : i32
      %convert_element_type3A_282 = arith.extui %lt3A_281 : i1 to i32
      %cond3A_283 = arith.constant 0 : i32
      %cond3A_284 = arith.cmpi ne, %convert_element_type3A_282, %cond3A_283 : i32
      scf.if %cond3A_284 {
        %dma_wait3A_286 = arith.constant 0 : i32
        %dma_wait3A_287 = tpu.memref_slice %arg5[%dma_wait3A_286] : memref<6400000xf32, #tpu.memory_space<hbm>> -> memref<5760xf32, #tpu.memory_space<hbm>>
        %dma_wait3A_288 = arith.constant 0 : i32
        %dma_wait3A_289 = tpu.memref_slice %arg5[%dma_wait3A_288] : memref<6400000xf32, #tpu.memory_space<hbm>> -> memref<5760xf32, #tpu.memory_space<hbm>>
        tpu.wait_dma2 semaphore(%arg28 : memref<!tpu.dma_semaphore, #tpu.memory_space<semaphore_mem>>) src(%arg17 : memref<5760xf32, #tpu.memory_space<vmem>>) dst(%dma_wait3A_289 : memref<5760xf32, #tpu.memory_space<hbm>>)
        %add3A_290 = arith.constant 5 : i32
        %add3A_291 = arith.addi %add3A_254, %add3A_290 : i32
        %sub3A_292 = arith.constant 1 : i32
        %sub3A_293 = arith.subi %add3A_291, %sub3A_292 : i32
        %mul3A_294 = arith.constant 45 : i32
        %mul3A_295 = arith.muli %sub3A_293, %mul3A_294 : i32
        %sub3A_296 = arith.constant 45 : i32
        %sub3A_297 = arith.subi %add3A_8, %sub3A_296 : i32
        %min3A_298 = arith.minsi %mul3A_295, %sub3A_297 : i32
        %add3A_299 = arith.addi %add3A_4, %min3A_298 : i32
        %mul3A_300 = arith.constant 128 : i32
        %mul3A_301 = arith.muli %add3A_299, %mul3A_300 : i32
        %dma_start3A_302 = arith.constant 0 : i32
        %dma_start3A_303 = tpu.memref_slice %arg3[%dma_start3A_302, %mul3A_301] : memref<2x6400000xi32, #tpu.memory_space<hbm>> -> memref<2x5760xi32, #tpu.memory_space<hbm>>
        %dma_start3A_304 = arith.constant 0 : i32
        %dma_start3A_305 = tpu.memref_slice %arg3[%dma_start3A_304, %mul3A_301] : memref<2x6400000xi32, #tpu.memory_space<hbm>> -> memref<2x5760xi32, #tpu.memory_space<hbm>>
        tpu.enqueue_dma source(%dma_start3A_305 : memref<2x5760xi32, #tpu.memory_space<hbm>>) target(%arg16 : memref<2x5760xi32, #tpu.memory_space<vmem>>) target_semaphore(%arg23 : memref<!tpu.dma_semaphore, #tpu.memory_space<semaphore_mem>>)
        %dma_start3A_306 = tpu.memref_slice %arg2[%mul3A_301] : memref<6400000xf32, #tpu.memory_space<hbm>> -> memref<5760xf32, #tpu.memory_space<hbm>>
        %dma_start3A_307 = tpu.memref_slice %arg2[%mul3A_301] : memref<6400000xf32, #tpu.memory_space<hbm>> -> memref<5760xf32, #tpu.memory_space<hbm>>
        tpu.enqueue_dma source(%dma_start3A_307 : memref<5760xf32, #tpu.memory_space<hbm>>) target(%arg17 : memref<5760xf32, #tpu.memory_space<vmem>>) target_semaphore(%arg23 : memref<!tpu.dma_semaphore, #tpu.memory_space<semaphore_mem>>)
      } else {
      }
      %scan3A_285 = arith.constant 0 : i32
      scf.yield %scan3A_285 : i32
    }
    %scan3A_78 = arith.constant 7 : i32
    %dma_wait3A = arith.constant 0 : i32
    %dma_wait3A_79 = tpu.memref_slice %arg5[%dma_wait3A] : memref<6400000xf32, #tpu.memory_space<hbm>> -> memref<5760xf32, #tpu.memory_space<hbm>>
    %dma_wait3A_80 = arith.constant 0 : i32
    %dma_wait3A_81 = tpu.memref_slice %arg5[%dma_wait3A_80] : memref<6400000xf32, #tpu.memory_space<hbm>> -> memref<5760xf32, #tpu.memory_space<hbm>>
    tpu.wait_dma2 semaphore(%arg25 : memref<!tpu.dma_semaphore, #tpu.memory_space<semaphore_mem>>) src(%arg11 : memref<5760xf32, #tpu.memory_space<vmem>>) dst(%dma_wait3A_81 : memref<5760xf32, #tpu.memory_space<hbm>>)
    %dma_wait3A_82 = arith.constant 0 : i32
    %dma_wait3A_83 = tpu.memref_slice %arg5[%dma_wait3A_82] : memref<6400000xf32, #tpu.memory_space<hbm>> -> memref<5760xf32, #tpu.memory_space<hbm>>
    %dma_wait3A_84 = arith.constant 0 : i32
    %dma_wait3A_85 = tpu.memref_slice %arg5[%dma_wait3A_84] : memref<6400000xf32, #tpu.memory_space<hbm>> -> memref<5760xf32, #tpu.memory_space<hbm>>
    tpu.wait_dma2 semaphore(%arg26 : memref<!tpu.dma_semaphore, #tpu.memory_space<semaphore_mem>>) src(%arg13 : memref<5760xf32, #tpu.memory_space<vmem>>) dst(%dma_wait3A_85 : memref<5760xf32, #tpu.memory_space<hbm>>)
    %dma_wait3A_86 = arith.constant 0 : i32
    %dma_wait3A_87 = tpu.memref_slice %arg5[%dma_wait3A_86] : memref<6400000xf32, #tpu.memory_space<hbm>> -> memref<5760xf32, #tpu.memory_space<hbm>>
    %dma_wait3A_88 = arith.constant 0 : i32
    %dma_wait3A_89 = tpu.memref_slice %arg5[%dma_wait3A_88] : memref<6400000xf32, #tpu.memory_space<hbm>> -> memref<5760xf32, #tpu.memory_space<hbm>>
    tpu.wait_dma2 semaphore(%arg27 : memref<!tpu.dma_semaphore, #tpu.memory_space<semaphore_mem>>) src(%arg15 : memref<5760xf32, #tpu.memory_space<vmem>>) dst(%dma_wait3A_89 : memref<5760xf32, #tpu.memory_space<hbm>>)
    %dma_wait3A_90 = arith.constant 0 : i32
    %dma_wait3A_91 = tpu.memref_slice %arg5[%dma_wait3A_90] : memref<6400000xf32, #tpu.memory_space<hbm>> -> memref<5760xf32, #tpu.memory_space<hbm>>
    %dma_wait3A_92 = arith.constant 0 : i32
    %dma_wait3A_93 = tpu.memref_slice %arg5[%dma_wait3A_92] : memref<6400000xf32, #tpu.memory_space<hbm>> -> memref<5760xf32, #tpu.memory_space<hbm>>
    tpu.wait_dma2 semaphore(%arg28 : memref<!tpu.dma_semaphore, #tpu.memory_space<semaphore_mem>>) src(%arg17 : memref<5760xf32, #tpu.memory_space<vmem>>) dst(%dma_wait3A_93 : memref<5760xf32, #tpu.memory_space<hbm>>)
    %dma_wait3A_94 = arith.constant 0 : i32
    %dma_wait3A_95 = tpu.memref_slice %arg5[%dma_wait3A_94] : memref<6400000xf32, #tpu.memory_space<hbm>> -> memref<5760xf32, #tpu.memory_space<hbm>>
    %dma_wait3A_96 = arith.constant 0 : i32
    %dma_wait3A_97 = tpu.memref_slice %arg5[%dma_wait3A_96] : memref<6400000xf32, #tpu.memory_space<hbm>> -> memref<5760xf32, #tpu.memory_space<hbm>>
    tpu.wait_dma2 semaphore(%arg29 : memref<!tpu.dma_semaphore, #tpu.memory_space<semaphore_mem>>) src(%arg19 : memref<5760xf32, #tpu.memory_space<vmem>>) dst(%dma_wait3A_97 : memref<5760xf32, #tpu.memory_space<hbm>>)
    return
  }
}

</mosaic_0001>

<sc_bundles>
// kernel: _run.3.cloned.1.call-start
scs
__scs_entry_jumppad:
0x0: {  	(pc) =	sbr.rel $0x88, $3  }
0x1: {  	(tag) =	ssettag $0x0;
	lr =	simm.s32 $0x1  }
0x2: {  	[smem:$0x3F9E] =	sst lr;
	_ =	strace $0xD0000000  }
0x3: {  	_ = 	snop  }
0x4: {  	_ = 	snop  }
0x5: {  	_ = 	snop  }
0x6: {  	_ = 	snop  }
0x7: {  	_ = 	snop  }
__scs_overlays_trampoline_lowered:
0x8: {  	[smem:$0x3FAD] =	sst s0  }
0x9: {  	[smem:$0x3FAE] =	sst s1  }
0xa: {  	[smem:$0x3FAF] =	sst s2  }
0xb: {  	[smem:$0x3FB0] =	sst s3  }
0xc: {  	[smem:$0x3FB1] =	sst s4  }
0xd: {  	[smem:$0x3FB2] =	sst s5  }
0xe: {  	[smem:$0x3FB3] =	sst s6  }
0xf: {  	[smem:$0x3FB4] =	sst s7  }
0x10: {  	[smem:$0x3FB5] =	sst s8  }
0x11: {  	[smem:$0x3FB6] =	sst s9;
	s0 =	simm.s32 @!p0 $0x0  }
0x12: {  	s1 =	sld [smem:$0x3F9C];
	s0 =	simm.s32 @p0 $0x1  }
0x13: {  	[smem:$0x3FB7] =	sst s0;
	s0 =	simm.s32 @!p1 $0x0  }
0x14: {  	s2 =	sld [smem:$0x3F9B];
	s0 =	simm.s32 @p1 $0x1  }
0x15: {  	[smem:$0x3FB8] =	sst s0;
	s0 =	simm.s32 @!p2 $0x0  }
0x16: {  	s3 =	sld [smem:$0x3FDB];
	s0 =	simm.s32 @p2 $0x1  }
0x17: {  	s4 =	simm.s32 $0x1BF5;
	[smem:$0x3FBA] =	sst s0  }
0x18: {  	s0 =	sld [smem:$0x3F9D];
	_ =	swait.ge [sflag:s4], $0x0  }
0x19: {  	s7 =	sld [smem:$0x3F9E]  }
0x1a: {  	s8 =	sadd.s32 $0xFFFFE003, lr  }
0x1b: {  	s9 =	sadd.s32 $0xFFFFFEF7, lr;
	s5 =	simm.s32 $0xFFFFFFFF;
	p2 =	slt.u32 s8, $0xFFFFF086  }
0x1c: {  	p1 =	slt.u32 s9, $0xF7A;
	s5 =	simm.s32 @!p2 $0x0  }
0x1d: {  	s5 =	simm.s32 @p1 $0x1;
	p0 =	seq.s32 s7, s2  }
0x1e: {  	s7 =	smul.u32 @!p0 $0xF7A, s2;
	p2 =	seq.s32 @!p0 s5, $0x0  }
0x1f: {  	s9 =	smul.u32 $0xF7A, s1;
	s8 =	simm.s32 @!p0 $0x1BF5;
	p2 =	por !p2, p0  }
0x20: {  	[sflag:s8] =	ssyncset.s32 @!p0 $0xFFFFF086;
	s6 =	sadd.s32 @!p0 s3, s7;
	s7 =	simm.s32 @!p0 $0x108  }
0x21: {  	s3 =	sadd.s32 s3, s9;
	s6 =	sadd.s32 @!p0 $0x88, s6;
	s7 =	simm.s32 @p2 $0x1082  }
0x22: {  	[simem:s7], [sflag:s8] =	dma.local @!p0 [hbm:s6], $0xF7A  }
0x23: {  	s9 =	sor.u32 $0xD0000000, s2;
	s6 =	simm.s32 $0x108;
	_ =	swait.ge @!p0 [sflag:s8], $0x0  }
0x24: {  	s3 =	sadd.s32 $0x88, s3;
	s6 =	simm.s32 @!p1 $0x1082;
	[sflag:s4] =	ssyncset.s32 $0xFFFFF086  }
0x25: {  	[simem:s6], [sflag:s4] =	dma.local [hbm:s3], $0xF7A  }
0x26: {  	[smem:$0x3F9E] =	sst s1;
	(tag) =	ssettag s2;
	_ =	strace s9  }
0x27: {  	s1 =	sld [smem:$0x3FAE]  }
0x28: {  	s2 =	sld [smem:$0x3FAF]  }
0x29: {  	s4 =	sld [smem:$0x3FB1]  }
0x2a: {  	p0 =	seq.s32 s5, $0x0;
	s5 =	sld [smem:$0x3FB2]  }
0x2b: {  	s6 =	sld [smem:$0x3FB3]  }
0x2c: {  	s7 =	sld [smem:$0x3FB4]  }
0x2d: {  	s3 =	simm.s32 $0x108;
	s8 =	sld [smem:$0x3FB5]  }
0x2e: {  	s3 =	simm.s32 @!p0 $0x1082;
	s9 =	sld [smem:$0x3FB6]  }
0x2f: {  	lr =	sadd.s32 s0, s3;
	s0 =	sld [smem:$0x3FAD]  }
0x30: {  	s3 =	sld [smem:$0x3FB0]  }
0x31: {  	[smem:$0x3FB9] =	sst s10  }
0x32: {  	s10 =	sld [smem:$0x3FB7];
	_ =	sdelay $0x3  }
0x33: {  	p0 =	seq.s32 s10, $0x1;
	s10 =	sld [smem:$0x3FB9];
	_ =	sdelay $0x3  }
0x34: {  	[smem:$0x3FB9] =	sst s10  }
0x35: {  	s10 =	sld [smem:$0x3FB8];
	_ =	sdelay $0x3  }
0x36: {  	p1 =	seq.s32 s10, $0x1;
	s10 =	sld [smem:$0x3FB9];
	_ =	sdelay $0x3  }
0x37: {  	[smem:$0x3FB9] =	sst s10  }
0x38: {  	s10 =	sld [smem:$0x3FBA]  }
0x39: {  	_ = 	snop;
	(pc) =	sbr.ind lr, $3  }
0x3a: {  	_ = 	snop  }
0x3b: {  	_ = 	snop  }
0x3c: {  	p2 =	seq.s32 s10, $0x1;
	s10 =	sld [smem:$0x3FB9]  }
0x3d: {  	_ =	shalt  }
0x3e: {  	_ =	shalt  }
0x3f: {  	_ =	shalt  }
0x40: {  	_ =	shalt  }
0x41: {  	_ =	shalt  }
0x42: {  	_ =	shalt  }
0x43: {  	_ =	shalt  }
0x44: {  	_ =	shalt  }
0x45: {  	_ =	shalt  }
0x46: {  	_ =	shalt  }
0x47: {  	_ =	shalt  }
0x48: {  	_ =	shalt  }
0x49: {  	_ =	shalt  }
0x4a: {  	_ =	shalt  }
0x4b: {  	_ =	shalt  }
0x4c: {  	_ =	shalt  }
0x4d: {  	_ =	shalt  }
0x4e: {  	_ =	shalt  }
0x4f: {  	_ =	shalt  }
0x50: {  	_ =	shalt  }
0x51: {  	_ =	shalt  }
0x52: {  	_ =	shalt  }
0x53: {  	_ =	shalt  }
0x54: {  	_ =	shalt  }
0x55: {  	_ =	shalt  }
0x56: {  	_ =	shalt  }
0x57: {  	_ =	shalt  }
0x58: {  	_ =	shalt  }
0x59: {  	_ =	shalt  }
0x5a: {  	_ =	shalt  }
0x5b: {  	_ =	shalt  }
0x5c: {  	_ =	shalt  }
0x5d: {  	_ =	shalt  }
0x5e: {  	_ =	shalt  }
0x5f: {  	_ =	shalt  }
0x60: {  	_ =	shalt  }
0x61: {  	_ =	shalt  }
0x62: {  	_ =	shalt  }
0x63: {  	_ =	shalt  }
0x64: {  	_ =	shalt  }
0x65: {  	_ =	shalt  }
0x66: {  	_ =	shalt  }
0x67: {  	_ =	shalt  }
0x68: {  	_ =	shalt  }
0x69: {  	_ =	shalt  }
0x6a: {  	_ =	shalt  }
0x6b: {  	_ =	shalt  }
0x6c: {  	_ =	shalt  }
0x6d: {  	_ =	shalt  }
0x6e: {  	_ =	shalt  }
0x6f: {  	_ =	shalt  }
0x70: {  	_ =	shalt  }
0x71: {  	_ =	shalt  }
0x72: {  	_ =	shalt  }
0x73: {  	_ =	shalt  }
0x74: {  	_ =	shalt  }
0x75: {  	_ =	shalt  }
0x76: {  	_ =	shalt  }
0x77: {  	_ =	shalt  }
0x78: {  	_ =	shalt  }
0x79: {  	_ =	shalt  }
0x7a: {  	_ =	shalt  }
0x7b: {  	_ =	shalt  }
0x7c: {  	_ =	shalt  }
0x7d: {  	_ =	shalt  }
0x7e: {  	_ =	shalt  }
0x7f: {  	_ =	shalt  }
0x80: {  	_ =	shalt  }
0x81: {  	_ =	shalt  }
0x82: {  	_ =	shalt  }
0x83: {  	_ =	shalt  }
0x84: {  	_ =	shalt  }
0x85: {  	_ =	shalt  }
0x86: {  	_ =	shalt  }
0x87: {  	_ =	shalt  }
.Lfunc_end0:
.L_simem_size_0:
called_computation_lowered:
.L_overlay_start_0:
0x88: {  	s2 =	sld [smem:$0x3FD9]  }
0x89: {  	s3 =	sld [smem:$0x3FFE];
	_ =	sdelay $0x1  }
0x8a: {  	s1 =	srdreg.scid  }
0x8b: {  	s0 =	sand.u32 $0x1, s1  }
0x8c: {  	s18 =	sshll.u32 s0, $0xA;
	s2 =	sadd.s32 s3, s2  }
0x8d: {  	s2 =	sadd.s32 s2, s18  }
0x8e: {  	[smem:$0x3FC5] =	sst s2  }
0x8f: {  	_ = 	snop  }
0x90: {  	s2 =	sld [smem:$0x3FC9]  }
0x91: {  	s19 =	sld [smem:$0x3FC8]  }
0x92: {  	s4 =	sld [smem:$0x3FC7]  }
0x93: {  	s5 =	sld [smem:$0x3FD0];
	(tm) =	ssettm $0x1  }
0x94: {  	s6 =	sld [smem:$0x3FFB];
	_ =	sdelay $0x3  }
0x95: {  	_ =	strace s6  }
0x96: {  	s6 =	sld [smem:$0x3FFC];
	_ =	sdelay $0x3  }
0x97: {  	_ =	strace s6  }
0x98: {  	s6 =	sld [smem:$0x3FFD];
	_ =	sdelay $0x3  }
0x99: {  	_ =	strace s6  }
0x9a: {  	_ =	strace $0x8FFFFFFF  }
0x9b: {  	s20 =	sld [smem:$0x3FDB];
	_ =	sdelay $0x1  }
0x9c: {  	s7 =	simm.s32 $_scs_section_size  }
0x9d: {  	s8 =	simm.s32 $_size__tile_overlayer_lowered;
	s9 =	simm.s32 $_tile_overlayer_lowered  }
0x9e: {  	s23 =	simm.s32 $0x1BFF;
	s22 =	sshll.u32 s9, $0x1;
	s6 =	sadd.s32 s7, s20  }
0x9f: {  	s10 =	simm.s32 $0x0;
	s21 =	sshll.u32 s8, $0x1;
	s8 =	sadd.s32 s22, s6  }
0xa0: {  	[timem:s10], [sflag:s23] =	dma.local [hbm:s8], s21  }
0xa1: {  	_ =	swait.ge [sflag:s23], s21  }
0xa2: {  	s7 =	ssub.s32 $0x0, s21;
	[sflag:s23] =	ssyncset.done $0x0  }
0xa3: {  	[sflag:s23] =	ssyncadd.s32 s7;
	_ =	sdelay $0x1  }
0xa4: {  	s24 =	simm.s32 $0x1B8B  }
0xa5: {  	_ =	swait.ge [sflag:s24], $0x1  }
0xa6: {  	[sflag:s24] =	ssyncset.done $0x0  }
0xa7: {  	s25 =	simm.s32 $0x1B8E;
	[sflag:s24] =	ssyncadd.s32 $0xFFFFFFFF  }
0xa8: {  	s26 =	simm.s32 $execute0_lowered;
	[smem:$0x3FD2] =	sst s25  }
0xa9: {  	s7 =	sshll.u32 s26, $0x1;
	_ =	strace $0x80000046;
	[dreg:$0x1] =	wrdreg $0xFFFFFFFF  }
0xaa: {  	s28 =	simm.s32 $_size_execute0_lowered;
	s6 =	sadd.s32 s6, s7;
	[dreg:$0x0] =	wrdreg $0x0  }
0xab: {  	s7 =	sshll.u32 s28, $0x1;
	[dreg:$0x2] =	wrdreg s6  }
0xac: {  	[dreg:$0x3] =	wrdreg s7  }
0xad: {  	[dreg:$0x4] =	wrdreg $0xC0  }
0xae: {  	_ =	task [dreg:s10], $0x5FFFF  }
0xaf: {  	[dreg:$0x1] =	wrdreg $0xFFFFFFFF  }
0xb0: {  	[dreg:$0x0] =	wrdreg $0x60  }
0xb1: {  	[dreg:$0x2] =	wrdreg s2  }
0xb2: {  	[dreg:$0x3] =	wrdreg s19  }
0xb3: {  	[dreg:$0x4] =	wrdreg s4  }
0xb4: {  	[dreg:$0x5] =	wrdreg s5  }
0xb5: {  	[dreg:$0x6] =	wrdreg $0x62000  }
0xb6: {  	[dreg:$0x7] =	wrdreg $0x7A700  }
0xb7: {  	[dreg:$0x8] =	wrdreg $0x9  }
0xb8: {  	_ =	task.clear_ibuf [dreg:s10], $0x9FFFF;
	_ =	strace $0x90000046  }
0xb9: {  	s29 =	simm.s32 $0x9;
	_ =	strace $0x80000048  }
0xba: {  	_ =	swait.ge [sflag:s29], $0x1  }
0xbb: {  	[sflag:s29] =	ssyncadd.s32 $0xFFFFFFFF  }
0xbc: {  	_ =	strace $0x90000048  }
0xbd: {  	_ =	sfence  }
0xbe: {  	s30 =	sld [smem:$0x0];
	_ =	sdelay $0x2  }
0xbf: {  	s31 =	sshll.u32 s1, $0xD;
	s1 =	sshrl.u32 s1, $0x2  }
0xc0: {  	s3 =	sand.u32 $0x4000, s31;
	s1 =	sadd.s32 s1, s30  }
0xc1: {  	s0 =	sor.u32 s3, s0;
	s1 =	sshll.u32 s1, $0x11  }
0xc2: {  	s0 =	sor.u32 s1, s0  }
0xc3: {  	s0 =	sadd.s32 $0x8F2B, s0  }
0xc4: {  	[sflag:s0] =	ssyncadd.remote.s32 $0x1  }
0xc5: {  	_ =	sfence.sel $0xFFFF  }
0xc6: {  	[dreg:$0x0] =	wrdreg $0xFFFFFFFF;
	(pc) =	sbr.abs _section_cstart, $3  }
0xc7: {  	[dreg:$0x1] =	wrdreg $0xFFFFFFFF  }
0xc8: {  	_ =	task.clear_ibuf [dreg:s10], $0x2FFFF;
	_ =	strace $0x9FFFFFFF  }
0xc9: {  	(tm) =	ssettm $0x7FFFFFFF  }
tec
execute0_lowered:
.L_overlay_start_1:
0x0: {  	(tag) =	ssettag $0x1  }
0x1: {  	s0 =	rddreg [dreg:$0x0]  }
0x2: {  	s1 =	rddreg [dreg:$0x1]  }
0x3: {  	s3 =	rddreg [dreg:$0x3]  }
0x4: {  	s12 =	rddreg [dreg:$0x4];
	s2 =	srdreg.scid  }
0x5: {  	s4 =	stileid.u32;
	s14 =	rddreg [dreg:$0x5]  }
0x6: {  	s7 =	simm.s32 $0x0;
	s9 =	simm.s32 $0x5EE;
	s28 =	simm.s32 $0x10990  }
0x7: {  	s30 =	simm.s32 $0x14D10;
	s29 =	simm.s32 $0x1A710;
	s31 =	simm.s32 $0x1D410  }
0x8: {  	s2 =	sand.u32 $0x1, s2;
	s5 =	sshll.u32 s4, $0x1;
	[smem:$0x7FF] =	sst s7  }
0x9: {  	p0 =	slt.u32 s4, $0x8;
	s20 =	smul.u32 $0x620, s4;
	s5 =	sor.u32 s2, s5  }
0xa: {  	s2 =	ssub.s32 $0x2, s2;
	_ =	strace $0x80000047;
	s6 =	smul.u32 $0x61A, s5  }
0xb: {  	s9 =	simm.s32 @!p0 $0x5ED;
	s10 =	sshrl.u32 s2, $0x1;
	s5 =	smin.u32 s5, $0x10  }
0xc: {  	p0 =	sne.s32 s4, $0x0;
	s2 =	ssub.s32 s2, s10;
	s8 =	sadd.s32 s5, s6  }
0xd: {  	s4 =	simm.s32 $0x2;
	s2 =	smax.u32 s2, $0x1;
	s5 =	sshll.u32 s8, $0x5  }
0xe: {  	s6 =	sshll.u32 s8, $0x4;
	s11 =	sadd.s32 $0x2D, s8;
	s13 =	sadd.s32 $0x5A, s8  }
0xf: {  	[dreg:$0x11] =	wrdreg s2;
	s2 =	simm.s32 $0x8090;
	s5 =	sadd.s32 s1, s5  }
0x10: {  	s10 =	sshll.u32 s11, $0x5;
	s15 =	sshll.u32 s11, $0x4;
	s16 =	sshll.u32 s13, $0x5  }
0x11: {  	s19 =	sshll.u32 s13, $0x4;
	[dreg:$0x7] =	wrdreg s5;
	s5 =	sadd.s32 s0, s6  }
0x12: {  	s17 =	sadd.s32 s0, s15;
	s18 =	sand.u32 $0x1FFFFFE0, s16;
	s16 =	sadd.s32 $0x87, s8  }
0x13: {  	s21 =	sadd.s32 s0, s19;
	s19 =	simm.s32 $0xB;
	[dreg:$0x8] =	wrdreg s5  }
0x14: {  	s6 =	simm.s32 $0x3;
	s5 =	sand.u32 $0x1FFFFFE0, s10;
	[dreg:$0xa] =	wrdreg s17  }
0x15: {  	[dreg:$0xc] =	wrdreg s21;
	s22 =	sshll.u32 s16, $0x5;
	s23 =	sshll.u32 s16, $0x4  }
0x16: {  	s10 =	smin.u32 s20, $0x5B88;
	s20 =	simm.s32 $0x0;
	s5 =	sadd.s32 s1, s5  }
0x17: {  	s24 =	sadd.s32 s0, s23;
	s25 =	sshll.u32 s10, $0x2;
	[dreg:$0x9] =	wrdreg s5  }
0x18: {  	v0 =	vlaneseq.u32;
	s26 =	sadd.s32 s10, s14;
	s5 =	sadd.s32 s1, s18;
	[dreg:$0xe] =	wrdreg s24  }
0x19: {  	v0 =	vmul.u32 $0x4, v0;
	s10 =	simm.s32 $0x4;
	[dreg:$0xb] =	wrdreg s5;
	s5 =	sand.u32 $0x1FFFFFE0, s22  }
0x1a: {  	[dreg:$0x10] =	wrdreg s26;
	s26 =	simm.s32 $0x1;
	s5 =	sadd.s32 s1, s5  }
0x1b: {  	v1 =	vor.u32 $0x1, v0;
	v2 =	vor.u32 $0x2, v0;
	v3 =	vor.u32 $0x3, v0;
	[dreg:$0xd] =	wrdreg s5;
	s5 =	sadd.s32 s25, s12;
	s25 =	simm.s32 $0xC610  }
0x1c: {  	v4 =	vor.u32 $0x41, v0;
	v5 =	vor.u32 $0x42, v0;
	v6 =	vor.u32 $0x43, v0;
	s12 =	simm.s32 $0x5;
	[dreg:$0xf] =	wrdreg s5;
	s5 =	simm.s32 $0x19090  }
.LBB2_1:
0x1d: {  	s14 =	rddreg [dreg:$0x7]  }
0x1e: {  	s17 =	rddreg [dreg:$0x9]  }
0x1f: {  	s15 =	simm.s32 $0x9910;
	s21 =	rddreg [dreg:$0xa]  }
0x20: {  	[tilespmem:s15], [sflag:$0x1] =	stream.linear.gather [hbm4b:s14+s7], $0x2D00, $0x38;
	[tilespmem:$0x1EA90] =	vst v63  }
0x21: {  	s15 =	rddreg [dreg:$0x8]  }
0x22: {  	[tilespmem:s25], [sflag:$0x1] =	stream.linear.gather [hbm4b:s15+s7], $0x1680, $0x38;
	[tilespmem:$0x1EA90] =	vst v63  }
0x23: {  	s18 =	simm.s32 $0xDC90;
	s22 =	rddreg [dreg:$0xb]  }
0x24: {  	[tilespmem:s18], [sflag:$0x2] =	stream.linear.gather [hbm4b:s17+s7], $0x2D00, $0x38;
	[tilespmem:$0x1EA90] =	vst v63  }
0x25: {  	s24 =	rddreg [dreg:$0xc]  }
0x26: {  	[tilespmem:s28], [sflag:$0x2] =	stream.linear.gather [hbm4b:s21+s7], $0x1680, $0x38;
	[tilespmem:$0x1EA90] =	vst v63  }
0x27: {  	s23 =	simm.s32 $0x12010;
	s14 =	rddreg [dreg:$0x4]  }
0x28: {  	[tilespmem:s23], [sflag:$0x3] =	stream.linear.gather [hbm4b:s22+s7], $0x2D00, $0x38;
	[tilespmem:$0x1EA90] =	vst v63  }
0x29: {  	s15 =	rddreg [dreg:$0xd]  }
0x2a: {  	[tilespmem:s30], [sflag:$0x3] =	stream.linear.gather [hbm4b:s24+s7], $0x1680, $0x38;
	[tilespmem:$0x1EA90] =	vst v63  }
0x2b: {  	s17 =	simm.s32 $0x16390;
	s18 =	rddreg [dreg:$0xe]  }
0x2c: {  	[tilespmem:s17], [sflag:$0x4] =	stream.linear.gather [hbm4b:s15+s7], $0x2D00, $0x38;
	[tilespmem:$0x1EA90] =	vst v63  }
0x2d: {  	s14 =	sshrl.u32 @!p0 s14, $0x3;
	s15 =	simm.s32 @!p0 $0x1C0B;
	s17 =	rddreg [dreg:$0x2]  }
0x2e: {  	[tilespmem:s5], [sflag:$0x4] =	stream.linear.gather [hbm4b:s18+s7], $0x1680, $0x38;
	[tilespmem:$0x1EA90] =	vst v63  }
0x2f: {  	[spmem:s14], [sflag:s15] =	dma.local @!p0 [hbm:s17], $0x30E0  }
0x30: {  	s14 =	simm.s32 @!p0 $0xB  }
0x31: {  	_ =	swait.ge @!p0 [sflag:s14], $0x30E0  }
0x32: {  	[sflag:s14] =	ssyncset.done @!p0 $0x0  }
0x33: {  	[sflag:s14] =	ssyncadd.s32 @!p0 $0xFFFFCF20  }
0x34: {  	[bflag:$0x0] =	sbarrier.arrive $0xFFFF  }
0x35: {  	v7 =	vor.u32 s7, v1;
	s21 =	simm.s32 $0xC0;
	s22 =	rddreg [dreg:$0xf]  }
0x36: {  	v8 =	vor.u32 s21, v0;
	[tilespmem:s2], [sflag:$0xB] =	stream.linear.gather [spmem:s22], $0x1880, $0x38;
	[tilespmem:$0x1EA90] =	vst v63  }
0x37: {  	v9 =	vor.u32 s21, v4;
	_ =	swait.ge [sflag:s19], $0x1880  }
0x38: {  	v10 =	vor.u32 s21, v5;
	[sflag:s19] =	ssyncset.done $0x0  }
0x39: {  	v11 =	vor.u32 s21, v6;
	s23 =	simm.s32 $0x40;
	[sflag:s19] =	ssyncadd.s32 $0xFFFFE780  }
0x3a: {  	v12 =	vor.u32 s23, v4;
	v17 =	vld.idx.msk [tilespmem:v7+s2+$0x0], $0xffff  }
0x3b: {  	v14 =	vor.u32 s23, v5;
	s24 =	simm.s32 $0x80;
	v18 =	vld.idx.msk [tilespmem:v8+s2+$0x0], $0xffff  }
0x3c: {  	v7 =	vor.u32 s24, v1;
	v16 =	vld.idx.msk [tilespmem:v9+s2+$0x0], $0xffff  }
0x3d: {  	v8 =	vor.u32 s23, v0;
	v19 =	vld.idx.msk [tilespmem:v10+s2+$0x0], $0xffff  }
0x3e: {  	v20 =	vor.u32 s24, v0;
	v21 =	vld.idx.msk [tilespmem:v11+s2+$0x0], $0xffff  }
0x3f: {  	v22 =	vor.u32 s24, v2;
	v12 =	vld.idx.msk [tilespmem:v12+s2+$0x0], $0xffff  }
0x40: {  	v15 =	vor.u32 s7, v0;
	v14 =	vld.idx.msk [tilespmem:v14+s2+$0x0], $0xffff  }
0x41: {  	v10 =	vld.idx.msk [tilespmem:v7+s2+$0x0], $0xffff;
	v7 =	vor.u32 s7, v2  }
0x42: {  	v9 =	vor.u32 s23, v6;
	v11 =	vor.u32 s24, v3;
	v13 =	vld.idx.msk [tilespmem:v8+s2+$0x0], $0xffff;
	v23 =	vshll.u32 v16, $0x8  }
0x43: {  	s21 =	simm.s32 $0x100;
	v8 =	vor.u32 s7, v3;
	v16 =	vld.idx.msk [tilespmem:v20+s2+$0x0], $0xffff;
	v19 =	vshll.u32 v19, $0x10;
	v20 =	vor.u32 v18, v23  }
0x44: {  	s17 =	simm.s32 $0x0;
	s14 =	simm.s32 $0x1800;
	s22 =	simm.s32 $0x0;
	v17 =	vshll.u32 v17, $0x8;
	v18 =	vld.idx.msk [tilespmem:v22+s2+$0x0], $0xffff;
	v19 =	vor.u32 v19, v20;
	v20 =	vshll.u32 v21, $0x18  }
.LBB2_2:
0x45: {  	v21 =	vor.u32 s21, v1;
	v22 =	vor.u32 s21, v2;
	s18 =	sadd.s32 $0x40, s21;
	s19 =	sadd.s32 $0xC0, s21;
	v23 =	vld.idx.msk [tilespmem:v15+s2+$0x0], $0xffff;
	s23 =	sshra.s32 s22, $0x2;
	v15 =	vor.u32 v20, v19  }
0x46: {  	s24 =	sadd.s32 $0x80, s21;
	s17 =	sadd.s32 $0x40, s17;
	s15 =	simm.s32 $0x5F0;
	v19 =	vor.u32 s18, v0;
	v20 =	vor.u32 s18, v4;
	v24 =	vor.u32 s19, v0;
	v25 =	vld.idx.msk [tilespmem:v7+s2+$0x0], $0xffff;
	[tilespmem:s23+$0x30] =	vst v15;
	v7 =	vmovc v22  }
0x47: {  	s22 =	smov.u32 s21;
	v22 =	vor.u32 s18, v5;
	v26 =	vor.u32 s24, v1;
	v27 =	vor.u32 s19, v4;
	p1 =	slt.u32 s17, $0x5C0;
	v28 =	vld.idx.msk [tilespmem:v9+s2+$0x0], $0xffff  }
0x48: {  	v29 =	vor.u32 s24, v0;
	v30 =	vor.u32 s24, v2;
	v31 =	vor.u32 s19, v5;
	v32 =	vld.idx.msk [tilespmem:v11+s2+$0x0], $0xffff  }
0x49: {  	v15 =	vor.u32 s21, v0;
	v33 =	vor.u32 s19, v6;
	v9 =	vor.u32 s18, v6;
	v34 =	vld.idx.msk [tilespmem:v8+s2+$0x0], $0xffff  }
0x4a: {  	v12 =	vshll.u32 v12, $0x8;
	v11 =	vor.u32 s24, v3;
	v8 =	vor.u32 s21, v3;
	v21 =	vld.idx.msk [tilespmem:v21+s2+$0x0], $0xffff  }
0x4b: {  	v10 =	vshll.u32 v10, $0x8;
	v12 =	vor.u32 v13, v12;
	v17 =	vor.u32 v23, v17;
	v24 =	vld.idx.msk [tilespmem:v24+s2+$0x0], $0xffff  }
0x4c: {  	v13 =	vshll.u32 v14, $0x10;
	v10 =	vor.u32 v16, v10;
	v14 =	vshll.u32 v18, $0x10;
	v23 =	vld.idx.msk [tilespmem:v27+s2+$0x0], $0xffff  }
0x4d: {  	v13 =	vor.u32 v13, v12;
	v10 =	vor.u32 v14, v10;
	v16 =	vshll.u32 v25, $0x10;
	v18 =	vld.idx.msk [tilespmem:v31+s2+$0x0], $0xffff  }
0x4e: {  	v14 =	vor.u32 v16, v17;
	v16 =	vshll.u32 v28, $0x18;
	v17 =	vshll.u32 v32, $0x18;
	v25 =	vld.idx.msk [tilespmem:v33+s2+$0x0], $0xffff  }
0x4f: {  	v13 =	vor.u32 v16, v13;
	v16 =	vor.u32 v17, v10;
	v12 =	vld.idx.msk [tilespmem:v20+s2+$0x0], $0xffff;
	v20 =	vshll.u32 v34, $0x18  }
.Ltmp0:
0x50: {  	v17 =	vshll.u32 v21, $0x8;
	v10 =	vld.idx.msk [tilespmem:v26+s2+$0x0], $0xffff;
	v20 =	vor.u32 v20, v14;
	[tilespmem:s23+$0x10] =	vst v13;
	(pc) =	sbr.rel @p1 .LBB2_2-.Ltmp0, $4  }
0x51: {  	v13 =	vld.idx.msk [tilespmem:v19+s2+$0x0], $0xffff;
	[tilespmem:s23+$0x20] =	vst v16  }
0x52: {  	v19 =	vshll.u32 v23, $0x8;
	v14 =	vld.idx.msk [tilespmem:v22+s2+$0x0], $0xffff;
	[tilespmem:s23+$0x0] =	vst v20  }
0x53: {  	v19 =	vor.u32 v24, v19;
	v20 =	vshll.u32 v18, $0x10;
	v16 =	vld.idx.msk [tilespmem:v29+s2+$0x0], $0xffff  }
0x54: {  	s21 =	sadd.s32 $0x100, s21;
	v19 =	vor.u32 v20, v19;
	v20 =	vshll.u32 v25, $0x18;
	v18 =	vld.idx.msk [tilespmem:v30+s2+$0x0], $0xffff  }
0x55: {  	_ =	sdelay $0x3  }
0x56: {  	v15 =	vld.idx.msk [tilespmem:v15+s2+$0x0], $0xffff  }
0x57: {  	v7 =	vld.idx.msk [tilespmem:v7+s2+$0x0], $0xffff  }
0x58: {  	v9 =	vld.idx.msk [tilespmem:v9+s2+$0x0], $0xffff  }
0x59: {  	v11 =	vld.idx.msk [tilespmem:v11+s2+$0x0], $0xffff  }
0x5a: {  	v19 =	vor.u32 v20, v19;
	v8 =	vld.idx.msk [tilespmem:v8+s2+$0x0], $0xffff;
	v12 =	vshll.u32 v12, $0x8  }
0x5b: {  	v10 =	vshll.u32 v10, $0x8;
	v12 =	vor.u32 v13, v12;
	v62 =	vshll.u32 v14, $0x10  }
0x5c: {  	v10 =	vor.u32 v16, v10;
	v12 =	vor.u32 v62, v12;
	v63 =	vshll.u32 v18, $0x10  }
0x5d: {  	s17 =	sshra.s32 s22, $0x2;
	v15 =	vor.u32 v15, v17;
	v7 =	vshll.u32 v7, $0x10;
	v9 =	vshll.u32 v9, $0x18  }
0x5e: {  	[tilespmem:s17+$0x30] =	vst v19;
	v10 =	vor.u32 v63, v10;
	v11 =	vshll.u32 v11, $0x18;
	v9 =	vor.u32 v9, v12  }
0x5f: {  	v8 =	vshll.u32 v8, $0x18;
	v7 =	vor.u32 v7, v15;
	v10 =	vor.u32 v11, v10;
	[tilespmem:s17+$0x10] =	vst v9  }
0x60: {  	v7 =	vor.u32 v8, v7;
	[tilespmem:s17+$0x20] =	vst v10  }
0x61: {  	[tilespmem:s17+$0x0] =	vst v7  }
.LBB2_4:
0x62: {  	v7 =	vor.u32 s14, v0  }
0x63: {  	v8 =	vor.u32 s14, v1  }
0x64: {  	v9 =	vor.u32 s14, v2  }
0x65: {  	v10 =	vor.u32 s14, v3;
	_ =	sdelay $0x1  }
0x66: {  	v7 =	vld.idx.msk [tilespmem:v7+s2+$0x0], $0xffff  }
0x67: {  	v8 =	vld.idx.msk [tilespmem:v8+s2+$0x0], $0xffff  }
0x68: {  	v9 =	vld.idx.msk [tilespmem:v9+s2+$0x0], $0xffff  }
0x69: {  	v10 =	vld.idx.msk [tilespmem:v10+s2+$0x0], $0xffff  }
0x6a: {  	s15 =	sadd.s32 $0x10, s15  }
0x6b: {  	p1 =	slt.u32 s15, $0x610  }
.Ltmp1:
0x6c: {  	v8 =	vshll.u32 v8, $0x8;
	(pc) =	sbr.rel @p1 .LBB2_4-.Ltmp1, $4  }
0x6d: {  	v7 =	vor.u32 v7, v8;
	v8 =	vshll.u32 v9, $0x10  }
0x6e: {  	v7 =	vor.u32 v8, v7;
	v8 =	vshll.u32 v10, $0x18  }
0x6f: {  	s17 =	sshra.s32 s14, $0x2;
	v7 =	vor.u32 v8, v7  }
0x70: {  	s14 =	sadd.s32 $0x40, s14;
	[tilespmem:s17+$0x0] =	vst v7  }
0x71: {  	s23 =	simm.s32 $0x0;
	s14 =	rddreg [dreg:$0x10];
	s19 =	simm.s32 $0xB  }
0x72: {  	[spmem:s14] =	stream.linear.scatter [tilespmem:s23], [sflag:$0xB], $0x620, $0x38;
	[tilespmem:$0x1EA90] =	vst v63  }
0x73: {  	_ =	swait.ge [sflag:s19], $0x620  }
0x74: {  	[sflag:s19] =	ssyncset.done $0x0  }
0x75: {  	[sflag:s19] =	ssyncadd.s32 $0xFFFFF9E0  }
0x76: {  	[bflag:$0x0] =	sbarrier.arrive $0xFFFF  }
0x77: {  	s24 =	rddreg [dreg:$0x5]  }
0x78: {  	[tilespmem:s23], [sflag:$0xB] =	stream.linear.gather [spmem:s24], $0x6200, $0x38;
	[tilespmem:$0x1EA90] =	vst v63  }
0x79: {  	_ =	swait.ge [sflag:s19], $0x6200  }
0x7a: {  	[sflag:s19] =	ssyncset.done $0x0  }
0x7b: {  	[sflag:s19] =	ssyncadd.s32 $0xFFFF9E00  }
.LBB2_6:
0x7c: {  	_ =	swait.ge [sflag:s26], $0x2D00  }
0x7d: {  	[sflag:s26] =	ssyncset.done $0x0  }
0x7e: {  	[sflag:s26] =	ssyncadd.s32 $0xFFFFD300  }
0x7f: {  	_ =	swait.ge [sflag:s26], $0x1680  }
0x80: {  	[sflag:s26] =	ssyncset.done $0x0  }
0x81: {  	s14 =	simm.s32 $0x9990;
	[sflag:s26] =	ssyncadd.s32 $0xFFFFE980  }
0x82: {  	v7 =	vld [tilespmem:s14+$0xFFFFFFF0]  }
0x83: {  	v8 =	vld [tilespmem:s14+$0x70]  }
0x84: {  	v9 =	vld [tilespmem:s14+$0x0]  }
0x85: {  	v10 =	vld [tilespmem:s14+$0xFFFFFF90]  }
0x86: {  	v11 =	vld [tilespmem:s14+$0x10]  }
0x87: {  	v12 =	vld [tilespmem:s14+$0xFFFFFFA0]  }
0x88: {  	v14 =	vld [tilespmem:s14+$0x20]  }
0x89: {  	v17 =	vld [tilespmem:s14+$0xFFFFFFB0]  }
0x8a: {  	v19 =	vld [tilespmem:s14+$0x30]  }
0x8b: {  	v21 =	vld [tilespmem:s14+$0xFFFFFFC0]  }
0x8c: {  	v25 =	vld [tilespmem:s14+$0x40];
	v13 =	vshra.s32 v7, $0x2;
	v15 =	vshra.s32 v8, $0x2;
	v16 =	vshll.u32 v9, $0x3  }
0x8d: {  	v30 =	vld [tilespmem:s14+$0x50];
	v9 =	vshra.s32 v9, $0x2;
	v18 =	vshra.s32 v10, $0x2;
	v10 =	vshll.u32 v10, $0x3  }
0x8e: {  	v31 =	vld [tilespmem:s14+$0xFFFFFFE0];
	v20 =	vshra.s32 v11, $0x2;
	v11 =	vshll.u32 v11, $0x3;
	v22 =	vshra.s32 v12, $0x2  }
0x8f: {  	v33 =	vld [tilespmem:s14+$0x60];
	v12 =	vshll.u32 v12, $0x3;
	v23 =	vshra.s32 v14, $0x2;
	v14 =	vshll.u32 v14, $0x3  }
0x90: {  	v24 =	vshra.s32 v17, $0x2;
	v17 =	vshll.u32 v17, $0x3;
	v26 =	vshra.s32 v19, $0x2  }
0x91: {  	v19 =	vshll.u32 v19, $0x3;
	v28 =	vshra.s32 v21, $0x2;
	v21 =	vshll.u32 v21, $0x3  }
0x92: {  	v27 =	vld [tilespmem:s14+$0xFFFFFFD0];
	v7 =	vshll.u32 v7, $0x3;
	v8 =	vshll.u32 v8, $0x3;
	v32 =	vshra.s32 v25, $0x2  }
0x93: {  	v57 =	vshra.s32 v30, $0x2;
	v34 =	vshra.s32 v31, $0x2;
	v58 =	vshll.u32 v30, $0x3;
	v13 =	vld.idx.msk [tilespmem:v13+s7+$0x0], $0xffff  }
0x94: {  	v59 =	vshra.s32 v33, $0x2;
	v60 =	vshll.u32 v31, $0x3;
	v61 =	vshll.u32 v33, $0x3;
	v15 =	vld.idx.msk [tilespmem:v15+s7+$0x0], $0xffff  }
0x95: {  	s22 =	simm.s32 $0xC650;
	v16 =	vand.u32 $0x18, v16;
	v10 =	vand.u32 $0x18, v10;
	v11 =	vand.u32 $0x18, v11;
	v9 =	vld.idx.msk [tilespmem:v9+s7+$0x0], $0xffff  }
0x96: {  	v29 =	vld [tilespmem:s22+$0x30];
	v12 =	vand.u32 $0x18, v12;
	v14 =	vand.u32 $0x18, v14;
	v17 =	vand.u32 $0x18, v17  }
0x97: {  	v19 =	vand.u32 $0x18, v19;
	v21 =	vand.u32 $0x18, v21;
	v7 =	vand.u32 $0x18, v7;
	v22 =	vld.idx.msk [tilespmem:v22+s7+$0x0], $0xffff  }
0x98: {  	v8 =	vand.u32 $0x18, v8;
	v62 =	vand.u32 $0x18, v61;
	v7 =	vshra.s32 v13, v7  }
0x99: {  	v8 =	vshra.s32 v15, v8;
	v13 =	vld [tilespmem:s14+$0xFFFFFF80];
	v15 =	vshra.s32 v27, $0x2;
	v27 =	vshll.u32 v27, $0x3  }
0x9a: {  	v9 =	vshra.s32 v9, v16;
	v7 =	vand.u32 $0xFF, v7;
	v8 =	vand.u32 $0xFF, v8  }
0x9b: {  	v20 =	vld.idx.msk [tilespmem:v20+s7+$0x0], $0xffff;
	vm0 =	vne.s32 v7, $0x0;
	vm1 =	vne.s32 v8, $0x0;
	v7 =	vmul.f32 $9.900000090e-01, v29  }
0x9c: {  	v12 =	vshra.s32 v22, v12;
	v27 =	vand.u32 $0x18, v27;
	v8 =	vld.idx.msk [tilespmem:v18+s7+$0x0], $0xffff;
	vm0 =	vmand vm0, vm1  }
0x9d: {  	v23 =	vld.idx.msk [tilespmem:v23+s7+$0x0], $0xffff;
	v9 =	vand.u32 $0xFF, v9;
	v18 =	vshll.u32 v25, $0x3;
	v7 =	vsel vm0, v29, v7  }
0x9e: {  	v26 =	vld.idx.msk [tilespmem:v26+s7+$0x0], $0xffff;
	vm0 =	vge.f32 v7, $9.999999770e-03;
	v35 =	vshra.s32 v13, $0x2;
	v13 =	vshll.u32 v13, $0x3  }
0x9f: {  	v18 =	vand.u32 $0x18, v18;
	v36 =	vnsel vm0, $0x0, v7;
	v7 =	vand.u32 $0x18, v13;
	v13 =	vld.idx.msk [tilespmem:v24+s7+$0x0], $0xffff  }
0xa0: {  	v16 =	vld.idx.msk [tilespmem:v28+s7+$0x0], $0xffff;
	v29 =	vand.u32 $0x18, v58;
	v24 =	vand.u32 $0x18, v60;
	vm0 =	vne.s32 v9, $0x0  }
0xa1: {  	v9 =	vand.u32 $0xFF, v12;
	v8 =	vshra.s32 v8, v10;
	v10 =	vshra.s32 v20, v11;
	v11 =	vld.idx.msk [tilespmem:v32+s7+$0x0], $0xffff  }
0xa2: {  	v12 =	vshra.s32 v23, v14;
	v14 =	vld.idx.msk [tilespmem:v15+s7+$0x0], $0xffff;
	vm3 =	vne.s32 v9, $0x0;
	v8 =	vand.u32 $0xFF, v8  }
0xa3: {  	v15 =	vld.idx.msk [tilespmem:v34+s7+$0x0], $0xffff;
	v10 =	vand.u32 $0xFF, v10;
	vm1 =	vne.s32 v8, $0x0;
	v8 =	vand.u32 $0xFF, v12  }
0xa4: {  	vm2 =	vne.s32 v10, $0x0;
	v20 =	vld.idx.msk [tilespmem:v35+s7+$0x0], $0xffff;
	vm4 =	vne.s32 v8, $0x0;
	v12 =	vshra.s32 v13, v17  }
0xa5: {  	vm1 =	vmand vm1, vm2;
	v13 =	vld.idx.msk [tilespmem:v57+s7+$0x0], $0xffff;
	v10 =	vand.u32 $0xFF, v12;
	v12 =	vshra.s32 v26, v19  }
0xa6: {  	vm4 =	vmand vm3, vm4;
	v19 =	vld [tilespmem:s22+$0xFFFFFFC0];
	v8 =	vshra.s32 v11, v18;
	v9 =	vand.u32 $0xFF, v12  }
0xa7: {  	v12 =	vshra.s32 v16, v21;
	v16 =	vld.idx.msk [tilespmem:v59+s7+$0x0], $0xffff;
	vm5 =	vne.s32 v10, $0x0;
	v11 =	vand.u32 $0xFF, v8  }
0xa8: {  	v10 =	vld [tilespmem:s22+$0x0];
	v12 =	vand.u32 $0xFF, v12;
	vm6 =	vne.s32 v9, $0x0;
	v9 =	vshra.s32 v14, v27  }
0xa9: {  	vm9 =	vne.s32 v11, $0x0;
	v7 =	vshra.s32 v20, v7;
	v20 =	vld [tilespmem:s22+$0xFFFFFFD0];
	v14 =	vand.u32 $0xFF, v9  }
0xaa: {  	vm8 =	vne.s32 v12, $0x0;
	vm2 =	vmand vm5, vm6;
	v8 =	vand.u32 $0xFF, v7;
	v7 =	vld [tilespmem:s22+$0xFFFFFFE0]  }
0xab: {  	v9 =	vshra.s32 v13, v29;
	v13 =	vshra.s32 v15, v24;
	vm7 =	vne.s32 v8, $0x0;
	v8 =	vld [tilespmem:s22+$0xFFFFFFF0]  }
0xac: {  	vm10 =	vne.s32 v14, $0x0;
	v12 =	vand.u32 $0xFF, v9;
	v9 =	vld [tilespmem:s22+$0x10];
	v11 =	vshra.s32 v16, v62  }
0xad: {  	v13 =	vand.u32 $0xFF, v13;
	vm11 =	vne.s32 v12, $0x0;
	v12 =	vand.u32 $0xFF, v11;
	v11 =	vld [tilespmem:s22+$0x20]  }
0xae: {  	vm3 =	vmand vm8, vm9;
	v16 =	vmul.f32 $9.900000090e-01, v19;
	vm12 =	vne.s32 v13, $0x0  }
0xaf: {  	vm7 =	vmand vm7, vm0;
	v14 =	vmul.f32 $9.900000090e-01, v10;
	vm0 =	vmand vm10, vm11  }
0xb0: {  	vm13 =	vne.s32 v12, $0x0;
	v63 =	vmul.f32 $9.900000090e-01, v20;
	v15 =	vmul.f32 $9.900000090e-01, v7  }
0xb1: {  	v18 =	vsel vm7, v19, v16;
	v17 =	vmul.f32 $9.900000090e-01, v8;
	v12 =	vmul.f32 $9.900000090e-01, v9  }
0xb2: {  	s15 =	simm.s32 $0x9A90;
	s14 =	simm.s32 $0x0;
	[tilespmem:s22+$0x30] =	vst v36;
	v16 =	vsel vm1, v20, v63;
	vm1 =	vmand vm12, vm13;
	v13 =	vmul.f32 $9.900000090e-01, v11  }
.LBB2_7:
0xb3: {  	v19 =	vld [tilespmem:s15+$0xFFFFFFF0];
	v7 =	vsel vm4, v7, v15;
	v8 =	vsel vm2, v8, v17;
	v10 =	vsel vm3, v10, v14  }
0xb4: {  	s14 =	sadd.s32 $0x80, s14;
	vm2 =	vge.f32 v18, $9.999999770e-03;
	v9 =	vsel vm0, v9, v12;
	v11 =	vsel vm1, v11, v13;
	v14 =	vld [tilespmem:s15+$0x70]  }
0xb5: {  	vm0 =	vge.f32 v16, $9.999999770e-03;
	p1 =	slt.u32 s14, $0x1600;
	vm1 =	vge.f32 v7, $9.999999770e-03;
	vm3 =	vge.f32 v8, $9.999999770e-03;
	v12 =	vld [tilespmem:s15+$0x0]  }
0xb6: {  	vm4 =	vge.f32 v10, $9.999999770e-03;
	vm5 =	vge.f32 v9, $9.999999770e-03;
	vm6 =	vge.f32 v11, $9.999999770e-03;
	v13 =	vld [tilespmem:s15+$0xFFFFFF90]  }
0xb7: {  	v17 =	vnsel vm2, $0x0, v18;
	v16 =	vnsel vm0, $0x0, v16;
	v7 =	vnsel vm1, $0x0, v7;
	v15 =	vld [tilespmem:s15+$0x10]  }
0xb8: {  	v8 =	vnsel vm3, $0x0, v8;
	v10 =	vnsel vm4, $0x0, v10;
	v18 =	vld [tilespmem:s15+$0xFFFFFFA0];
	v20 =	vshra.s32 v19, $0x2;
	[tilespmem:s22+$0xFFFFFFC0] =	vst v17  }
0xb9: {  	v9 =	vnsel vm5, $0x0, v9;
	v11 =	vnsel vm6, $0x0, v11;
	v17 =	vld [tilespmem:s15+$0x20];
	v21 =	vshra.s32 v14, $0x2;
	[tilespmem:s22+$0xFFFFFFD0] =	vst v16  }
0xba: {  	v16 =	vshra.s32 v12, $0x2;
	v12 =	vshll.u32 v12, $0x3;
	v22 =	vld [tilespmem:s15+$0xFFFFFFB0];
	[tilespmem:s22+$0xFFFFFFE0] =	vst v7  }
0xbb: {  	v7 =	vand.u32 $0x18, v12;
	v12 =	vshra.s32 v13, $0x2;
	v13 =	vshll.u32 v13, $0x3;
	v23 =	vld [tilespmem:s15+$0x30];
	[tilespmem:s22+$0xFFFFFFF0] =	vst v8  }
0xbc: {  	v8 =	vshra.s32 v15, $0x2;
	v13 =	vand.u32 $0x18, v13;
	v15 =	vshll.u32 v15, $0x3;
	v24 =	vld [tilespmem:s15+$0xFFFFFFC0];
	[tilespmem:s22+$0x0] =	vst v10  }
0xbd: {  	v10 =	vand.u32 $0x18, v15;
	v15 =	vshra.s32 v18, $0x2;
	v18 =	vshll.u32 v18, $0x3;
	v20 =	vld.idx.msk [tilespmem:v20+s7+$0x0], $0xffff;
	[tilespmem:s22+$0x10] =	vst v9  }
0xbe: {  	v9 =	vshra.s32 v17, $0x2;
	v18 =	vand.u32 $0x18, v18;
	v17 =	vshll.u32 v17, $0x3;
	v21 =	vld.idx.msk [tilespmem:v21+s7+$0x0], $0xffff;
	[tilespmem:s22+$0x20] =	vst v11  }
0xbf: {  	v11 =	vand.u32 $0x18, v17;
	v17 =	vshra.s32 v22, $0x2;
	v22 =	vshll.u32 v22, $0x3;
	v25 =	vld [tilespmem:s15+$0x40]  }
0xc0: {  	s22 =	sadd.s32 $0x80, s22;
	v26 =	vshra.s32 v23, $0x2;
	v22 =	vand.u32 $0x18, v22;
	v23 =	vshll.u32 v23, $0x3;
	v27 =	vld [tilespmem:s15+$0xFFFFFFD0]  }
0xc1: {  	v23 =	vand.u32 $0x18, v23;
	v28 =	vshra.s32 v24, $0x2;
	v24 =	vshll.u32 v24, $0x3;
	v29 =	vld [tilespmem:s22+$0x30]  }
0xc2: {  	v19 =	vshll.u32 v19, $0x3;
	v14 =	vshll.u32 v14, $0x3;
	v24 =	vand.u32 $0x18, v24;
	v30 =	vld [tilespmem:s15+$0x50]  }
0xc3: {  	v19 =	vand.u32 $0x18, v19;
	v14 =	vand.u32 $0x18, v14;
	v31 =	vld [tilespmem:s15+$0xFFFFFFE0]  }
0xc4: {  	v19 =	vshra.s32 v20, v19;
	v14 =	vshra.s32 v21, v14;
	v32 =	vshra.s32 v25, $0x2;
	v33 =	vld [tilespmem:s15+$0x60]  }
0xc5: {  	v19 =	vand.u32 $0xFF, v19;
	v14 =	vand.u32 $0xFF, v14;
	v20 =	vld [tilespmem:s15+$0xFFFFFF80];
	v21 =	vshra.s32 v27, $0x2  }
0xc6: {  	vm0 =	vne.s32 v19, $0x0;
	vm1 =	vne.s32 v14, $0x0;
	v16 =	vld.idx.msk [tilespmem:v16+s7+$0x0], $0xffff;
	v14 =	vmul.f32 $9.900000090e-01, v29  }
0xc7: {  	v19 =	vshll.u32 v25, $0x3;
	vm0 =	vmand vm0, vm1;
	v12 =	vld.idx.msk [tilespmem:v12+s7+$0x0], $0xffff;
	v25 =	vshra.s32 v30, $0x2  }
0xc8: {  	v27 =	vshll.u32 v27, $0x3;
	v8 =	vld.idx.msk [tilespmem:v8+s7+$0x0], $0xffff;
	v34 =	vshra.s32 v31, $0x2;
	v14 =	vsel vm0, v29, v14  }
0xc9: {  	v29 =	vshll.u32 v30, $0x3;
	v15 =	vld.idx.msk [tilespmem:v15+s7+$0x0], $0xffff;
	v30 =	vshra.s32 v33, $0x2;
	vm0 =	vge.f32 v14, $9.999999770e-03  }
0xca: {  	v35 =	vshra.s32 v20, $0x2;
	v20 =	vshll.u32 v20, $0x3;
	v9 =	vld.idx.msk [tilespmem:v9+s7+$0x0], $0xffff;
	v14 =	vnsel vm0, $0x0, v14  }
0xcb: {  	v31 =	vshll.u32 v31, $0x3;
	v33 =	vshll.u32 v33, $0x3;
	v20 =	vand.u32 $0x18, v20;
	v17 =	vld.idx.msk [tilespmem:v17+s7+$0x0], $0xffff;
	[tilespmem:s22+$0x30] =	vst v14  }
0xcc: {  	v19 =	vand.u32 $0x18, v19;
	v14 =	vld.idx.msk [tilespmem:v26+s7+$0x0], $0xffff;
	v26 =	vand.u32 $0x18, v27;
	v27 =	vand.u32 $0x18, v29  }
0xcd: {  	v7 =	vshra.s32 v16, v7;
	v29 =	vand.u32 $0x18, v33;
	v16 =	vld.idx.msk [tilespmem:v28+s7+$0x0], $0xffff;
	v28 =	vand.u32 $0x18, v31  }
0xce: {  	v7 =	vand.u32 $0xFF, v7;
	v12 =	vshra.s32 v12, v13;
	v8 =	vshra.s32 v8, v10;
	v10 =	vld.idx.msk [tilespmem:v32+s7+$0x0], $0xffff  }
0xcf: {  	v12 =	vand.u32 $0xFF, v12;
	v8 =	vand.u32 $0xFF, v8;
	v15 =	vshra.s32 v15, v18;
	v13 =	vld.idx.msk [tilespmem:v35+s7+$0x0], $0xffff  }
0xd0: {  	vm0 =	vne.s32 v7, $0x0;
	v7 =	vand.u32 $0xFF, v15;
	v9 =	vshra.s32 v9, v11;
	v11 =	vld.idx.msk [tilespmem:v21+s7+$0x0], $0xffff  }
0xd1: {  	vm1 =	vne.s32 v12, $0x0;
	v9 =	vand.u32 $0xFF, v9;
	v12 =	vshra.s32 v17, v22;
	v15 =	vld.idx.msk [tilespmem:v25+s7+$0x0], $0xffff  }
0xd2: {  	vm2 =	vne.s32 v8, $0x0;
	v8 =	vand.u32 $0xFF, v12;
	v12 =	vshra.s32 v14, v23;
	v14 =	vld.idx.msk [tilespmem:v34+s7+$0x0], $0xffff  }
0xd3: {  	vm3 =	vne.s32 v7, $0x0;
	v12 =	vand.u32 $0xFF, v12;
	v7 =	vshra.s32 v16, v24;
	v16 =	vld.idx.msk [tilespmem:v30+s7+$0x0], $0xffff  }
0xd4: {  	vm4 =	vne.s32 v9, $0x0;
	v9 =	vand.u32 $0xFF, v7;
	v7 =	vshra.s32 v10, v19;
	v18 =	vld [tilespmem:s22+$0xFFFFFFC0]  }
0xd5: {  	vm5 =	vne.s32 v8, $0x0;
	v10 =	vshra.s32 v13, v20;
	v13 =	vand.u32 $0xFF, v7;
	v19 =	vld [tilespmem:s22+$0xFFFFFFD0]  }
0xd6: {  	vm6 =	vne.s32 v12, $0x0;
	v8 =	vand.u32 $0xFF, v10;
	v10 =	vshra.s32 v11, v26;
	v7 =	vld [tilespmem:s22+$0xFFFFFFE0]  }
0xd7: {  	vm7 =	vne.s32 v8, $0x0;
	v11 =	vand.u32 $0xFF, v10;
	v12 =	vshra.s32 v15, v27;
	v8 =	vld [tilespmem:s22+$0xFFFFFFF0]  }
0xd8: {  	vm8 =	vne.s32 v9, $0x0;
	v12 =	vand.u32 $0xFF, v12;
	v14 =	vshra.s32 v14, v28;
	v10 =	vld [tilespmem:s22+$0x0]  }
0xd9: {  	vm9 =	vne.s32 v13, $0x0;
	v13 =	vand.u32 $0xFF, v14;
	v14 =	vshra.s32 v16, v29;
	v9 =	vld [tilespmem:s22+$0x10]  }
0xda: {  	vm10 =	vne.s32 v11, $0x0;
	vm11 =	vne.s32 v12, $0x0;
	v12 =	vand.u32 $0xFF, v14;
	v11 =	vld [tilespmem:s22+$0x20]  }
0xdb: {  	v16 =	vmul.f32 $9.900000090e-01, v18;
	vm12 =	vne.s32 v13, $0x0;
	vm13 =	vne.s32 v12, $0x0  }
.Ltmp2:
0xdc: {  	vm7 =	vmand vm7, vm0;
	v20 =	vmul.f32 $9.900000090e-01, v19;
	v15 =	vmul.f32 $9.900000090e-01, v7;
	(pc) =	sbr.rel @p1 .LBB2_7-.Ltmp2, $4  }
0xdd: {  	vm1 =	vmand vm1, vm2;
	v17 =	vmul.f32 $9.900000090e-01, v8;
	v14 =	vmul.f32 $9.900000090e-01, v10  }
0xde: {  	vm4 =	vmand vm3, vm4;
	vm2 =	vmand vm5, vm6;
	v12 =	vmul.f32 $9.900000090e-01, v9  }
0xdf: {  	vm3 =	vmand vm8, vm9;
	vm0 =	vmand vm10, vm11;
	v13 =	vmul.f32 $9.900000090e-01, v11  }
0xe0: {  	s15 =	sadd.s32 $0x100, s15;
	v18 =	vsel vm7, v18, v16;
	v16 =	vsel vm1, v19, v20;
	vm1 =	vmand vm12, vm13  }
0xe1: {  	vm5 =	vge.f32 v18, $9.999999770e-03  }
0xe2: {  	v7 =	vsel vm4, v7, v15;
	vm4 =	vge.f32 v16, $9.999999770e-03;
	v15 =	vnsel vm5, $0x0, v18  }
0xe3: {  	v8 =	vsel vm2, v8, v17;
	vm2 =	vge.f32 v7, $9.999999770e-03;
	v16 =	vnsel vm4, $0x0, v16;
	[tilespmem:s22+$0xFFFFFFC0] =	vst v15  }
0xe4: {  	v10 =	vsel vm3, v10, v14;
	s21 =	smul.u32 $0xE1, s23;
	vm3 =	vge.f32 v8, $9.999999770e-03;
	v7 =	vnsel vm2, $0x0, v7;
	[tilespmem:s22+$0xFFFFFFD0] =	vst v16  }
0xe5: {  	v9 =	vsel vm0, v9, v12;
	vm0 =	vge.f32 v10, $9.999999770e-03;
	v8 =	vnsel vm3, $0x0, v8;
	[tilespmem:s22+$0xFFFFFFE0] =	vst v7  }
0xe6: {  	v10 =	vnsel vm0, $0x0, v10;
	s14 =	sadd.s32 s8, s21;
	v7 =	vsel vm1, v11, v13;
	vm1 =	vge.f32 v9, $9.999999770e-03;
	[tilespmem:s22+$0xFFFFFFF0] =	vst v8  }
0xe7: {  	[tilespmem:s22+$0x0] =	vst v10;
	s14 =	sshll.u32 s14, $0x4;
	vm0 =	vge.f32 v7, $9.999999770e-03;
	v8 =	vnsel vm1, $0x0, v9  }
0xe8: {  	s14 =	sand.u32 $0x1FFFFFF0, s14;
	v7 =	vnsel vm0, $0x0, v7;
	[tilespmem:s22+$0x10] =	vst v8  }
0xe9: {  	s14 =	sadd.s32 s3, s14;
	[tilespmem:s22+$0x20] =	vst v7  }
0xea: {  	[hbm4b:s14+s7] =	stream.linear.scatter [tilespmem:s25], [sflag:$0x6], $0x1680, $0x38;
	[tilespmem:$0x1EA90] =	vst v63  }
0xeb: {  	s14 =	sadd.s32 $0xB4, s21  }
0xec: {  	s15 =	smov.u32 s9;
	p1 =	slt.s32 s14, s9  }
0xed: {  	s15 =	smov.u32 @p1 s14;
	p1 =	seq.s32 s23, $0x0  }
0xee: {  	s14 =	simm.s32 @!p1 $0xA;
	s15 =	sadd.s32 s8, s15  }
0xef: {  	_ =	swait.ge @!p1 [sflag:s14], $0x1680;
	s17 =	sshll.u32 s15, $0x5  }
0xf0: {  	[sflag:s14] =	ssyncset.done @!p1 $0x0;
	s17 =	sand.u32 $0x1FFFFFE0, s17  }
0xf1: {  	s22 =	sshll.u32 s15, $0x4;
	[sflag:s14] =	ssyncadd.s32 @!p1 $0xFFFFE980;
	s17 =	sadd.s32 s1, s17  }
0xf2: {  	[tilespmem:s29], [sflag:$0x5] =	stream.linear.gather [hbm4b:s17+s7], $0x2D00, $0x38;
	[tilespmem:$0x1EA90] =	vst v63  }
0xf3: {  	s18 =	sadd.s32 s0, s22  }
0xf4: {  	[tilespmem:s31], [sflag:$0x5] =	stream.linear.gather [hbm4b:s18+s7], $0x1680, $0x38;
	[tilespmem:$0x1EA90] =	vst v63  }
0xf5: {  	_ =	swait.ge [sflag:s4], $0x2D00  }
0xf6: {  	[sflag:s4] =	ssyncset.done $0x0  }
0xf7: {  	[sflag:s4] =	ssyncadd.s32 $0xFFFFD300  }
0xf8: {  	_ =	swait.ge [sflag:s4], $0x1680  }
0xf9: {  	[sflag:s4] =	ssyncset.done $0x0  }
0xfa: {  	s24 =	simm.s32 $0xDD10;
	[sflag:s4] =	ssyncadd.s32 $0xFFFFE980  }
0xfb: {  	v7 =	vld [tilespmem:s24+$0xFFFFFFF0]  }
0xfc: {  	v8 =	vld [tilespmem:s24+$0x70]  }
0xfd: {  	v9 =	vld [tilespmem:s24+$0x0]  }
0xfe: {  	v10 =	vld [tilespmem:s24+$0xFFFFFF90]  }
0xff: {  	v11 =	vld [tilespmem:s24+$0x10]  }
0x100: {  	v12 =	vld [tilespmem:s24+$0xFFFFFFA0]  }
0x101: {  	v14 =	vld [tilespmem:s24+$0x20]  }
0x102: {  	v17 =	vld [tilespmem:s24+$0xFFFFFFB0]  }
0x103: {  	v19 =	vld [tilespmem:s24+$0x30]  }
0x104: {  	v21 =	vld [tilespmem:s24+$0xFFFFFFC0]  }
0x105: {  	v25 =	vld [tilespmem:s24+$0x40];
	v13 =	vshra.s32 v7, $0x2;
	v15 =	vshra.s32 v8, $0x2;
	v16 =	vshll.u32 v9, $0x3  }
0x106: {  	v30 =	vld [tilespmem:s24+$0x50];
	v9 =	vshra.s32 v9, $0x2;
	v18 =	vshra.s32 v10, $0x2;
	v10 =	vshll.u32 v10, $0x3  }
0x107: {  	v31 =	vld [tilespmem:s24+$0xFFFFFFE0];
	v20 =	vshra.s32 v11, $0x2;
	v11 =	vshll.u32 v11, $0x3;
	v22 =	vshra.s32 v12, $0x2  }
0x108: {  	v33 =	vld [tilespmem:s24+$0x60];
	v12 =	vshll.u32 v12, $0x3;
	v23 =	vshra.s32 v14, $0x2;
	v14 =	vshll.u32 v14, $0x3  }
0x109: {  	v24 =	vshra.s32 v17, $0x2;
	v17 =	vshll.u32 v17, $0x3;
	v26 =	vshra.s32 v19, $0x2  }
0x10a: {  	v19 =	vshll.u32 v19, $0x3;
	v28 =	vshra.s32 v21, $0x2;
	v21 =	vshll.u32 v21, $0x3  }
0x10b: {  	v27 =	vld [tilespmem:s24+$0xFFFFFFD0];
	v7 =	vshll.u32 v7, $0x3;
	v8 =	vshll.u32 v8, $0x3;
	v32 =	vshra.s32 v25, $0x2  }
0x10c: {  	v57 =	vshra.s32 v30, $0x2;
	v34 =	vshra.s32 v31, $0x2;
	v58 =	vshll.u32 v30, $0x3;
	v13 =	vld.idx.msk [tilespmem:v13+s7+$0x0], $0xffff  }
0x10d: {  	v59 =	vshra.s32 v33, $0x2;
	v60 =	vshll.u32 v31, $0x3;
	v61 =	vshll.u32 v33, $0x3;
	v15 =	vld.idx.msk [tilespmem:v15+s7+$0x0], $0xffff  }
0x10e: {  	s14 =	simm.s32 $0x109D0;
	v16 =	vand.u32 $0x18, v16;
	v10 =	vand.u32 $0x18, v10;
	v11 =	vand.u32 $0x18, v11;
	v9 =	vld.idx.msk [tilespmem:v9+s7+$0x0], $0xffff  }
0x10f: {  	v29 =	vld [tilespmem:s14+$0x30];
	v12 =	vand.u32 $0x18, v12;
	v14 =	vand.u32 $0x18, v14;
	v17 =	vand.u32 $0x18, v17  }
0x110: {  	v19 =	vand.u32 $0x18, v19;
	v21 =	vand.u32 $0x18, v21;
	v7 =	vand.u32 $0x18, v7;
	v22 =	vld.idx.msk [tilespmem:v22+s7+$0x0], $0xffff  }
0x111: {  	v8 =	vand.u32 $0x18, v8;
	v62 =	vand.u32 $0x18, v61;
	v7 =	vshra.s32 v13, v7  }
0x112: {  	v8 =	vshra.s32 v15, v8;
	v13 =	vld [tilespmem:s24+$0xFFFFFF80];
	v15 =	vshra.s32 v27, $0x2;
	v27 =	vshll.u32 v27, $0x3  }
0x113: {  	v9 =	vshra.s32 v9, v16;
	v7 =	vand.u32 $0xFF, v7;
	v8 =	vand.u32 $0xFF, v8  }
0x114: {  	v20 =	vld.idx.msk [tilespmem:v20+s7+$0x0], $0xffff;
	vm0 =	vne.s32 v7, $0x0;
	vm1 =	vne.s32 v8, $0x0;
	v7 =	vmul.f32 $9.900000090e-01, v29  }
0x115: {  	v12 =	vshra.s32 v22, v12;
	v27 =	vand.u32 $0x18, v27;
	v8 =	vld.idx.msk [tilespmem:v18+s7+$0x0], $0xffff;
	vm0 =	vmand vm0, vm1  }
0x116: {  	v23 =	vld.idx.msk [tilespmem:v23+s7+$0x0], $0xffff;
	v9 =	vand.u32 $0xFF, v9;
	v18 =	vshll.u32 v25, $0x3;
	v7 =	vsel vm0, v29, v7  }
0x117: {  	v26 =	vld.idx.msk [tilespmem:v26+s7+$0x0], $0xffff;
	vm0 =	vge.f32 v7, $9.999999770e-03;
	v35 =	vshra.s32 v13, $0x2;
	v13 =	vshll.u32 v13, $0x3  }
0x118: {  	v18 =	vand.u32 $0x18, v18;
	v36 =	vnsel vm0, $0x0, v7;
	v7 =	vand.u32 $0x18, v13;
	v13 =	vld.idx.msk [tilespmem:v24+s7+$0x0], $0xffff  }
0x119: {  	v16 =	vld.idx.msk [tilespmem:v28+s7+$0x0], $0xffff;
	v29 =	vand.u32 $0x18, v58;
	v24 =	vand.u32 $0x18, v60;
	vm0 =	vne.s32 v9, $0x0  }
0x11a: {  	v9 =	vand.u32 $0xFF, v12;
	v8 =	vshra.s32 v8, v10;
	v10 =	vshra.s32 v20, v11;
	v11 =	vld.idx.msk [tilespmem:v32+s7+$0x0], $0xffff  }
0x11b: {  	v12 =	vshra.s32 v23, v14;
	v14 =	vld.idx.msk [tilespmem:v15+s7+$0x0], $0xffff;
	vm3 =	vne.s32 v9, $0x0;
	v8 =	vand.u32 $0xFF, v8  }
0x11c: {  	v15 =	vld.idx.msk [tilespmem:v34+s7+$0x0], $0xffff;
	v10 =	vand.u32 $0xFF, v10;
	vm1 =	vne.s32 v8, $0x0;
	v8 =	vand.u32 $0xFF, v12  }
0x11d: {  	vm2 =	vne.s32 v10, $0x0;
	v20 =	vld.idx.msk [tilespmem:v35+s7+$0x0], $0xffff;
	vm4 =	vne.s32 v8, $0x0;
	v12 =	vshra.s32 v13, v17  }
0x11e: {  	vm1 =	vmand vm1, vm2;
	v13 =	vld.idx.msk [tilespmem:v57+s7+$0x0], $0xffff;
	v10 =	vand.u32 $0xFF, v12;
	v12 =	vshra.s32 v26, v19  }
0x11f: {  	vm4 =	vmand vm3, vm4;
	v19 =	vld [tilespmem:s14+$0xFFFFFFC0];
	v8 =	vshra.s32 v11, v18;
	v9 =	vand.u32 $0xFF, v12  }
0x120: {  	v12 =	vshra.s32 v16, v21;
	v16 =	vld.idx.msk [tilespmem:v59+s7+$0x0], $0xffff;
	vm5 =	vne.s32 v10, $0x0;
	v10 =	vand.u32 $0xFF, v8  }
0x121: {  	vm6 =	vne.s32 v9, $0x0;
	v9 =	vshra.s32 v14, v27;
	vm9 =	vne.s32 v10, $0x0;
	v10 =	vld [tilespmem:s14+$0x10]  }
0x122: {  	v12 =	vand.u32 $0xFF, v12;
	v7 =	vshra.s32 v20, v7;
	v20 =	vld [tilespmem:s14+$0xFFFFFFD0];
	v11 =	vand.u32 $0xFF, v9  }
0x123: {  	vm8 =	vne.s32 v12, $0x0;
	v9 =	vld [tilespmem:s14+$0x0];
	vm2 =	vmand vm5, vm6;
	v8 =	vand.u32 $0xFF, v7  }
0x124: {  	v7 =	vld [tilespmem:s14+$0xFFFFFFE0];
	v13 =	vshra.s32 v13, v29;
	vm10 =	vne.s32 v11, $0x0;
	vm3 =	vmand vm8, vm9  }
0x125: {  	vm7 =	vne.s32 v8, $0x0;
	v8 =	vld [tilespmem:s14+$0xFFFFFFF0];
	v12 =	vand.u32 $0xFF, v13;
	v13 =	vshra.s32 v15, v24  }
0x126: {  	v11 =	vld [tilespmem:s14+$0x20];
	v13 =	vand.u32 $0xFF, v13;
	v14 =	vshra.s32 v16, v62;
	vm11 =	vne.s32 v12, $0x0  }
0x127: {  	v16 =	vmul.f32 $9.900000090e-01, v19;
	vm7 =	vmand vm7, vm0;
	v12 =	vand.u32 $0xFF, v14  }
0x128: {  	vm12 =	vne.s32 v13, $0x0;
	vm0 =	vmand vm10, vm11;
	v63 =	vmul.f32 $9.900000090e-01, v20  }
0x129: {  	vm13 =	vne.s32 v12, $0x0;
	v13 =	vmul.f32 $9.900000090e-01, v9;
	v12 =	vmul.f32 $9.900000090e-01, v10  }
0x12a: {  	v18 =	vsel vm7, v19, v16;
	v15 =	vmul.f32 $9.900000090e-01, v7;
	v17 =	vmul.f32 $9.900000090e-01, v8  }
0x12b: {  	s15 =	simm.s32 $0x0;
	s17 =	simm.s32 $0xDE10;
	[tilespmem:s14+$0x30] =	vst v36;
	v14 =	vmul.f32 $9.900000090e-01, v11;
	v16 =	vsel vm1, v20, v63;
	vm1 =	vmand vm12, vm13  }
.LBB2_9:
0x12c: {  	v19 =	vld [tilespmem:s17+$0xFFFFFFF0];
	v7 =	vsel vm4, v7, v15;
	v8 =	vsel vm2, v8, v17;
	v9 =	vsel vm3, v9, v13  }
0x12d: {  	s15 =	sadd.s32 $0x80, s15;
	vm2 =	vge.f32 v18, $9.999999770e-03;
	v10 =	vsel vm0, v10, v12;
	v11 =	vsel vm1, v11, v14;
	v13 =	vld [tilespmem:s17+$0x70]  }
0x12e: {  	vm0 =	vge.f32 v16, $9.999999770e-03;
	p1 =	slt.u32 s15, $0x1600;
	vm1 =	vge.f32 v7, $9.999999770e-03;
	vm3 =	vge.f32 v8, $9.999999770e-03;
	v12 =	vld [tilespmem:s17+$0x0]  }
0x12f: {  	vm4 =	vge.f32 v9, $9.999999770e-03;
	vm5 =	vge.f32 v10, $9.999999770e-03;
	vm6 =	vge.f32 v11, $9.999999770e-03;
	v14 =	vld [tilespmem:s17+$0xFFFFFF90]  }
0x130: {  	v17 =	vnsel vm2, $0x0, v18;
	v16 =	vnsel vm0, $0x0, v16;
	v7 =	vnsel vm1, $0x0, v7;
	v15 =	vld [tilespmem:s17+$0x10]  }
0x131: {  	v8 =	vnsel vm3, $0x0, v8;
	v9 =	vnsel vm4, $0x0, v9;
	v18 =	vld [tilespmem:s17+$0xFFFFFFA0];
	v20 =	vshra.s32 v19, $0x2;
	[tilespmem:s14+$0xFFFFFFC0] =	vst v17  }
0x132: {  	v10 =	vnsel vm5, $0x0, v10;
	v11 =	vnsel vm6, $0x0, v11;
	v17 =	vld [tilespmem:s17+$0x20];
	v21 =	vshra.s32 v13, $0x2;
	[tilespmem:s14+$0xFFFFFFD0] =	vst v16  }
0x133: {  	v16 =	vshra.s32 v12, $0x2;
	v12 =	vshll.u32 v12, $0x3;
	v22 =	vld [tilespmem:s17+$0xFFFFFFB0];
	[tilespmem:s14+$0xFFFFFFE0] =	vst v7  }
0x134: {  	v7 =	vand.u32 $0x18, v12;
	v12 =	vshra.s32 v14, $0x2;
	v14 =	vshll.u32 v14, $0x3;
	v23 =	vld [tilespmem:s17+$0x30];
	[tilespmem:s14+$0xFFFFFFF0] =	vst v8  }
0x135: {  	v8 =	vshra.s32 v15, $0x2;
	v14 =	vand.u32 $0x18, v14;
	v15 =	vshll.u32 v15, $0x3;
	v24 =	vld [tilespmem:s17+$0xFFFFFFC0];
	[tilespmem:s14+$0x0] =	vst v9  }
0x136: {  	v9 =	vand.u32 $0x18, v15;
	v15 =	vshra.s32 v18, $0x2;
	v18 =	vshll.u32 v18, $0x3;
	v20 =	vld.idx.msk [tilespmem:v20+s7+$0x0], $0xffff;
	[tilespmem:s14+$0x10] =	vst v10  }
0x137: {  	v10 =	vshra.s32 v17, $0x2;
	v18 =	vand.u32 $0x18, v18;
	v17 =	vshll.u32 v17, $0x3;
	v21 =	vld.idx.msk [tilespmem:v21+s7+$0x0], $0xffff;
	[tilespmem:s14+$0x20] =	vst v11  }
0x138: {  	v11 =	vand.u32 $0x18, v17;
	v17 =	vshra.s32 v22, $0x2;
	v22 =	vshll.u32 v22, $0x3;
	v25 =	vld [tilespmem:s17+$0x40]  }
0x139: {  	s14 =	sadd.s32 $0x80, s14;
	v26 =	vshra.s32 v23, $0x2;
	v22 =	vand.u32 $0x18, v22;
	v23 =	vshll.u32 v23, $0x3;
	v27 =	vld [tilespmem:s17+$0xFFFFFFD0]  }
0x13a: {  	v23 =	vand.u32 $0x18, v23;
	v28 =	vshra.s32 v24, $0x2;
	v24 =	vshll.u32 v24, $0x3;
	v29 =	vld [tilespmem:s14+$0x30]  }
0x13b: {  	v19 =	vshll.u32 v19, $0x3;
	v13 =	vshll.u32 v13, $0x3;
	v24 =	vand.u32 $0x18, v24;
	v30 =	vld [tilespmem:s17+$0x50]  }
0x13c: {  	v19 =	vand.u32 $0x18, v19;
	v13 =	vand.u32 $0x18, v13;
	v31 =	vld [tilespmem:s17+$0xFFFFFFE0]  }
0x13d: {  	v19 =	vshra.s32 v20, v19;
	v13 =	vshra.s32 v21, v13;
	v32 =	vshra.s32 v25, $0x2;
	v33 =	vld [tilespmem:s17+$0x60]  }
0x13e: {  	v19 =	vand.u32 $0xFF, v19;
	v13 =	vand.u32 $0xFF, v13;
	v20 =	vld [tilespmem:s17+$0xFFFFFF80];
	v21 =	vshra.s32 v27, $0x2  }
0x13f: {  	vm0 =	vne.s32 v19, $0x0;
	vm1 =	vne.s32 v13, $0x0;
	v16 =	vld.idx.msk [tilespmem:v16+s7+$0x0], $0xffff;
	v13 =	vmul.f32 $9.900000090e-01, v29  }
0x140: {  	v19 =	vshll.u32 v25, $0x3;
	vm0 =	vmand vm0, vm1;
	v12 =	vld.idx.msk [tilespmem:v12+s7+$0x0], $0xffff;
	v25 =	vshra.s32 v30, $0x2  }
0x141: {  	v27 =	vshll.u32 v27, $0x3;
	v8 =	vld.idx.msk [tilespmem:v8+s7+$0x0], $0xffff;
	v34 =	vshra.s32 v31, $0x2;
	v13 =	vsel vm0, v29, v13  }
0x142: {  	v29 =	vshll.u32 v30, $0x3;
	v15 =	vld.idx.msk [tilespmem:v15+s7+$0x0], $0xffff;
	v30 =	vshra.s32 v33, $0x2;
	vm0 =	vge.f32 v13, $9.999999770e-03  }
0x143: {  	v35 =	vshra.s32 v20, $0x2;
	v20 =	vshll.u32 v20, $0x3;
	v10 =	vld.idx.msk [tilespmem:v10+s7+$0x0], $0xffff;
	v13 =	vnsel vm0, $0x0, v13  }
0x144: {  	v31 =	vshll.u32 v31, $0x3;
	v33 =	vshll.u32 v33, $0x3;
	v20 =	vand.u32 $0x18, v20;
	v17 =	vld.idx.msk [tilespmem:v17+s7+$0x0], $0xffff;
	[tilespmem:s14+$0x30] =	vst v13  }
0x145: {  	v19 =	vand.u32 $0x18, v19;
	v13 =	vld.idx.msk [tilespmem:v26+s7+$0x0], $0xffff;
	v26 =	vand.u32 $0x18, v27;
	v27 =	vand.u32 $0x18, v29  }
0x146: {  	v7 =	vshra.s32 v16, v7;
	v29 =	vand.u32 $0x18, v33;
	v16 =	vld.idx.msk [tilespmem:v28+s7+$0x0], $0xffff;
	v28 =	vand.u32 $0x18, v31  }
0x147: {  	v7 =	vand.u32 $0xFF, v7;
	v12 =	vshra.s32 v12, v14;
	v8 =	vshra.s32 v8, v9;
	v9 =	vld.idx.msk [tilespmem:v32+s7+$0x0], $0xffff  }
0x148: {  	v12 =	vand.u32 $0xFF, v12;
	v8 =	vand.u32 $0xFF, v8;
	v15 =	vshra.s32 v15, v18;
	v14 =	vld.idx.msk [tilespmem:v35+s7+$0x0], $0xffff  }
0x149: {  	vm0 =	vne.s32 v7, $0x0;
	v7 =	vand.u32 $0xFF, v15;
	v10 =	vshra.s32 v10, v11;
	v11 =	vld.idx.msk [tilespmem:v21+s7+$0x0], $0xffff  }
0x14a: {  	vm1 =	vne.s32 v12, $0x0;
	v10 =	vand.u32 $0xFF, v10;
	v12 =	vshra.s32 v17, v22;
	v15 =	vld.idx.msk [tilespmem:v25+s7+$0x0], $0xffff  }
0x14b: {  	vm2 =	vne.s32 v8, $0x0;
	v8 =	vand.u32 $0xFF, v12;
	v12 =	vshra.s32 v13, v23;
	v13 =	vld.idx.msk [tilespmem:v34+s7+$0x0], $0xffff  }
0x14c: {  	vm3 =	vne.s32 v7, $0x0;
	v12 =	vand.u32 $0xFF, v12;
	v7 =	vshra.s32 v16, v24;
	v16 =	vld.idx.msk [tilespmem:v30+s7+$0x0], $0xffff  }
0x14d: {  	vm4 =	vne.s32 v10, $0x0;
	v10 =	vand.u32 $0xFF, v7;
	v7 =	vshra.s32 v9, v19;
	v18 =	vld [tilespmem:s14+$0xFFFFFFC0]  }
0x14e: {  	vm5 =	vne.s32 v8, $0x0;
	v9 =	vshra.s32 v14, v20;
	v14 =	vand.u32 $0xFF, v7;
	v19 =	vld [tilespmem:s14+$0xFFFFFFD0]  }
0x14f: {  	vm6 =	vne.s32 v12, $0x0;
	v8 =	vand.u32 $0xFF, v9;
	v9 =	vshra.s32 v11, v26;
	v7 =	vld [tilespmem:s14+$0xFFFFFFE0]  }
0x150: {  	vm7 =	vne.s32 v8, $0x0;
	v11 =	vand.u32 $0xFF, v9;
	v12 =	vshra.s32 v15, v27;
	v8 =	vld [tilespmem:s14+$0xFFFFFFF0]  }
0x151: {  	vm8 =	vne.s32 v10, $0x0;
	v12 =	vand.u32 $0xFF, v12;
	v13 =	vshra.s32 v13, v28;
	v9 =	vld [tilespmem:s14+$0x0]  }
0x152: {  	vm9 =	vne.s32 v14, $0x0;
	v13 =	vand.u32 $0xFF, v13;
	v14 =	vshra.s32 v16, v29;
	v10 =	vld [tilespmem:s14+$0x10]  }
0x153: {  	vm10 =	vne.s32 v11, $0x0;
	vm11 =	vne.s32 v12, $0x0;
	v12 =	vand.u32 $0xFF, v14;
	v11 =	vld [tilespmem:s14+$0x20]  }
0x154: {  	v16 =	vmul.f32 $9.900000090e-01, v18;
	vm12 =	vne.s32 v13, $0x0;
	vm13 =	vne.s32 v12, $0x0  }
.Ltmp3:
0x155: {  	vm7 =	vmand vm7, vm0;
	v20 =	vmul.f32 $9.900000090e-01, v19;
	v15 =	vmul.f32 $9.900000090e-01, v7;
	(pc) =	sbr.rel @p1 .LBB2_9-.Ltmp3, $4  }
0x156: {  	vm1 =	vmand vm1, vm2;
	v17 =	vmul.f32 $9.900000090e-01, v8;
	v13 =	vmul.f32 $9.900000090e-01, v9  }
0x157: {  	vm4 =	vmand vm3, vm4;
	vm2 =	vmand vm5, vm6;
	v12 =	vmul.f32 $9.900000090e-01, v10  }
0x158: {  	vm3 =	vmand vm8, vm9;
	vm0 =	vmand vm10, vm11;
	v14 =	vmul.f32 $9.900000090e-01, v11  }
0x159: {  	s17 =	sadd.s32 $0x100, s17;
	v18 =	vsel vm7, v18, v16;
	v16 =	vsel vm1, v19, v20;
	vm1 =	vmand vm12, vm13  }
0x15a: {  	vm5 =	vge.f32 v18, $9.999999770e-03  }
0x15b: {  	v7 =	vsel vm4, v7, v15;
	vm4 =	vge.f32 v16, $9.999999770e-03;
	v15 =	vnsel vm5, $0x0, v18  }
0x15c: {  	v8 =	vsel vm2, v8, v17;
	vm2 =	vge.f32 v7, $9.999999770e-03;
	v16 =	vnsel vm4, $0x0, v16;
	[tilespmem:s14+$0xFFFFFFC0] =	vst v15  }
0x15d: {  	v9 =	vsel vm3, v9, v13;
	vm3 =	vge.f32 v8, $9.999999770e-03;
	v7 =	vnsel vm2, $0x0, v7;
	[tilespmem:s14+$0xFFFFFFD0] =	vst v16  }
0x15e: {  	v10 =	vsel vm0, v10, v12;
	vm0 =	vge.f32 v9, $9.999999770e-03;
	v8 =	vnsel vm3, $0x0, v8;
	[tilespmem:s14+$0xFFFFFFE0] =	vst v7  }
0x15f: {  	s15 =	sadd.s32 s11, s21;
	v9 =	vnsel vm0, $0x0, v9;
	v7 =	vsel vm1, v11, v14;
	vm1 =	vge.f32 v10, $9.999999770e-03;
	[tilespmem:s14+$0xFFFFFFF0] =	vst v8  }
0x160: {  	s15 =	sshll.u32 s15, $0x4;
	[tilespmem:s14+$0x0] =	vst v9;
	vm0 =	vge.f32 v7, $9.999999770e-03;
	v8 =	vnsel vm1, $0x0, v10  }
0x161: {  	p1 =	seq.s32 s23, $0x6;
	s15 =	sand.u32 $0x1FFFFFF0, s15;
	v7 =	vnsel vm0, $0x0, v7;
	[tilespmem:s14+$0x10] =	vst v8  }
0x162: {  	s18 =	sadd.s32 s3, s15;
	[tilespmem:s14+$0x20] =	vst v7;
	s14 =	sadd.s32 @!p1 $0xE1, s21  }
0x163: {  	[hbm4b:s18+s7] =	stream.linear.scatter [tilespmem:s28], [sflag:$0x7], $0x1680, $0x38;
	[tilespmem:$0x1EA90] =	vst v63  }
0x164: {  	p2 =	slt.s32 @!p1 s14, s9  }
0x165: {  	p2 =	por !p2, p1  }
0x166: {  	s15 =	simm.s32 @!p1 $0x6;
	s14 =	smov.u32 @p2 s9  }
0x167: {  	_ =	swait.ge @!p1 [sflag:s15], $0x1680;
	s14 =	sadd.s32 @!p1 s8, s14  }
0x168: {  	[sflag:s15] =	ssyncset.done @!p1 $0x0;
	s17 =	sshll.u32 @!p1 s14, $0x5  }
0x169: {  	s18 =	simm.s32 @!p1 $0x9910;
	[sflag:s15] =	ssyncadd.s32 @!p1 $0xFFFFE980;
	s15 =	sand.u32 @!p1 $0x1FFFFFE0, s17  }
0x16a: {  	s14 =	sshll.u32 @!p1 s14, $0x4;
	s17 =	simm.s32 @!p1 $0x0;
	s15 =	sadd.s32 @!p1 s1, s15  }
0x16b: {  	[tilespmem:s18], [sflag:$0x1] =	stream.linear.gather @!p1 [hbm4b:s15+s17], $0x2D00, $0x38;
	[tilespmem:$0x1EA90] =	vst v63  }
0x16c: {  	s14 =	sadd.s32 @!p1 s0, s14;
	s15 =	simm.s32 @!p1 $0xC610  }
0x16d: {  	[tilespmem:s15], [sflag:$0x1] =	stream.linear.gather @!p1 [hbm4b:s14+s17], $0x1680, $0x38;
	[tilespmem:$0x1EA90] =	vst v63  }
0x16e: {  	_ =	swait.ge [sflag:s6], $0x2D00  }
0x16f: {  	[sflag:s6] =	ssyncset.done $0x0  }
0x170: {  	[sflag:s6] =	ssyncadd.s32 $0xFFFFD300  }
0x171: {  	_ =	swait.ge [sflag:s6], $0x1680  }
0x172: {  	[sflag:s6] =	ssyncset.done $0x0  }
0x173: {  	s24 =	simm.s32 $0x12090;
	[sflag:s6] =	ssyncadd.s32 $0xFFFFE980  }
0x174: {  	v7 =	vld [tilespmem:s24+$0xFFFFFFF0]  }
0x175: {  	v8 =	vld [tilespmem:s24+$0x70]  }
0x176: {  	v9 =	vld [tilespmem:s24+$0x0]  }
0x177: {  	v10 =	vld [tilespmem:s24+$0xFFFFFF90]  }
0x178: {  	v11 =	vld [tilespmem:s24+$0x10]  }
0x179: {  	v12 =	vld [tilespmem:s24+$0xFFFFFFA0]  }
0x17a: {  	v14 =	vld [tilespmem:s24+$0x20]  }
0x17b: {  	v17 =	vld [tilespmem:s24+$0xFFFFFFB0]  }
0x17c: {  	v19 =	vld [tilespmem:s24+$0x30]  }
0x17d: {  	v21 =	vld [tilespmem:s24+$0xFFFFFFC0]  }
0x17e: {  	v25 =	vld [tilespmem:s24+$0x40];
	v13 =	vshra.s32 v7, $0x2;
	v15 =	vshra.s32 v8, $0x2;
	v16 =	vshll.u32 v9, $0x3  }
0x17f: {  	v30 =	vld [tilespmem:s24+$0x50];
	v9 =	vshra.s32 v9, $0x2;
	v18 =	vshra.s32 v10, $0x2;
	v10 =	vshll.u32 v10, $0x3  }
0x180: {  	v31 =	vld [tilespmem:s24+$0xFFFFFFE0];
	v20 =	vshra.s32 v11, $0x2;
	v11 =	vshll.u32 v11, $0x3;
	v22 =	vshra.s32 v12, $0x2  }
0x181: {  	v33 =	vld [tilespmem:s24+$0x60];
	v12 =	vshll.u32 v12, $0x3;
	v23 =	vshra.s32 v14, $0x2;
	v14 =	vshll.u32 v14, $0x3  }
0x182: {  	v24 =	vshra.s32 v17, $0x2;
	v17 =	vshll.u32 v17, $0x3;
	v26 =	vshra.s32 v19, $0x2  }
0x183: {  	v19 =	vshll.u32 v19, $0x3;
	v28 =	vshra.s32 v21, $0x2;
	v21 =	vshll.u32 v21, $0x3  }
0x184: {  	v27 =	vld [tilespmem:s24+$0xFFFFFFD0];
	v7 =	vshll.u32 v7, $0x3;
	v8 =	vshll.u32 v8, $0x3;
	v32 =	vshra.s32 v25, $0x2  }
0x185: {  	v58 =	vshra.s32 v30, $0x2;
	v34 =	vshra.s32 v31, $0x2;
	v59 =	vshll.u32 v30, $0x3;
	v13 =	vld.idx.msk [tilespmem:v13+s7+$0x0], $0xffff  }
0x186: {  	v60 =	vshra.s32 v33, $0x2;
	v61 =	vshll.u32 v31, $0x3;
	v62 =	vshll.u32 v33, $0x3;
	v15 =	vld.idx.msk [tilespmem:v15+s7+$0x0], $0xffff  }
0x187: {  	s14 =	simm.s32 $0x14D50;
	v16 =	vand.u32 $0x18, v16;
	v10 =	vand.u32 $0x18, v10;
	v11 =	vand.u32 $0x18, v11;
	v9 =	vld.idx.msk [tilespmem:v9+s7+$0x0], $0xffff  }
0x188: {  	v29 =	vld [tilespmem:s14+$0x30];
	v12 =	vand.u32 $0x18, v12;
	v14 =	vand.u32 $0x18, v14;
	v17 =	vand.u32 $0x18, v17  }
0x189: {  	v19 =	vand.u32 $0x18, v19;
	v21 =	vand.u32 $0x18, v21;
	v7 =	vand.u32 $0x18, v7;
	v22 =	vld.idx.msk [tilespmem:v22+s7+$0x0], $0xffff  }
0x18a: {  	v8 =	vand.u32 $0x18, v8;
	v63 =	vand.u32 $0x18, v62;
	v7 =	vshra.s32 v13, v7  }
0x18b: {  	v8 =	vshra.s32 v15, v8;
	v13 =	vld [tilespmem:s24+$0xFFFFFF80];
	v15 =	vshra.s32 v27, $0x2;
	v27 =	vshll.u32 v27, $0x3  }
0x18c: {  	v9 =	vshra.s32 v9, v16;
	v7 =	vand.u32 $0xFF, v7;
	v8 =	vand.u32 $0xFF, v8  }
0x18d: {  	v20 =	vld.idx.msk [tilespmem:v20+s7+$0x0], $0xffff;
	vm0 =	vne.s32 v7, $0x0;
	vm1 =	vne.s32 v8, $0x0;
	v7 =	vmul.f32 $9.900000090e-01, v29  }
0x18e: {  	v12 =	vshra.s32 v22, v12;
	v27 =	vand.u32 $0x18, v27;
	v8 =	vld.idx.msk [tilespmem:v18+s7+$0x0], $0xffff;
	vm0 =	vmand vm0, vm1  }
0x18f: {  	v23 =	vld.idx.msk [tilespmem:v23+s7+$0x0], $0xffff;
	v9 =	vand.u32 $0xFF, v9;
	v18 =	vshll.u32 v25, $0x3;
	v7 =	vsel vm0, v29, v7  }
0x190: {  	v26 =	vld.idx.msk [tilespmem:v26+s7+$0x0], $0xffff;
	vm0 =	vge.f32 v7, $9.999999770e-03;
	v35 =	vshra.s32 v13, $0x2;
	v13 =	vshll.u32 v13, $0x3  }
0x191: {  	v18 =	vand.u32 $0x18, v18;
	v36 =	vnsel vm0, $0x0, v7;
	v7 =	vand.u32 $0x18, v13;
	v13 =	vld.idx.msk [tilespmem:v24+s7+$0x0], $0xffff  }
0x192: {  	v16 =	vld.idx.msk [tilespmem:v28+s7+$0x0], $0xffff;
	v29 =	vand.u32 $0x18, v59;
	v24 =	vand.u32 $0x18, v61;
	vm0 =	vne.s32 v9, $0x0  }
0x193: {  	v9 =	vand.u32 $0xFF, v12;
	v8 =	vshra.s32 v8, v10;
	v10 =	vshra.s32 v20, v11;
	v11 =	vld.idx.msk [tilespmem:v32+s7+$0x0], $0xffff  }
0x194: {  	v12 =	vshra.s32 v23, v14;
	v14 =	vld.idx.msk [tilespmem:v15+s7+$0x0], $0xffff;
	vm3 =	vne.s32 v9, $0x0;
	v8 =	vand.u32 $0xFF, v8  }
0x195: {  	v15 =	vld.idx.msk [tilespmem:v34+s7+$0x0], $0xffff;
	v10 =	vand.u32 $0xFF, v10;
	vm1 =	vne.s32 v8, $0x0;
	v8 =	vand.u32 $0xFF, v12  }
0x196: {  	vm2 =	vne.s32 v10, $0x0;
	v20 =	vld.idx.msk [tilespmem:v35+s7+$0x0], $0xffff;
	vm4 =	vne.s32 v8, $0x0;
	v12 =	vshra.s32 v13, v17  }
0x197: {  	vm14 =	vmand vm1, vm2;
	v13 =	vld.idx.msk [tilespmem:v58+s7+$0x0], $0xffff;
	v10 =	vand.u32 $0xFF, v12;
	v12 =	vshra.s32 v26, v19  }
0x198: {  	v17 =	vld [tilespmem:s14+$0xFFFFFFC0];
	vm4 =	vmand vm3, vm4;
	v8 =	vshra.s32 v11, v18;
	v9 =	vand.u32 $0xFF, v12  }
0x199: {  	v19 =	vld [tilespmem:s14+$0xFFFFFFD0];
	v12 =	vshra.s32 v16, v21;
	vm5 =	vne.s32 v10, $0x0;
	v10 =	vand.u32 $0xFF, v8  }
0x19a: {  	v16 =	vld.idx.msk [tilespmem:v60+s7+$0x0], $0xffff;
	v12 =	vand.u32 $0xFF, v12;
	vm6 =	vne.s32 v9, $0x0;
	v9 =	vshra.s32 v14, v27  }
0x19b: {  	vm9 =	vne.s32 v10, $0x0;
	v10 =	vld [tilespmem:s14+$0x10];
	v7 =	vshra.s32 v20, v7;
	v11 =	vand.u32 $0xFF, v9  }
0x19c: {  	vm8 =	vne.s32 v12, $0x0;
	v9 =	vld [tilespmem:s14+$0x0];
	vm1 =	vmand vm5, vm6;
	v8 =	vand.u32 $0xFF, v7  }
0x19d: {  	v7 =	vld [tilespmem:s14+$0xFFFFFFE0];
	v13 =	vshra.s32 v13, v29;
	vm10 =	vne.s32 v11, $0x0;
	v18 =	vmul.f32 $9.900000090e-01, v17  }
0x19e: {  	vm7 =	vne.s32 v8, $0x0;
	v8 =	vld [tilespmem:s14+$0xFFFFFFF0];
	v12 =	vand.u32 $0xFF, v13;
	v13 =	vshra.s32 v15, v24  }
0x19f: {  	v11 =	vld [tilespmem:s14+$0x20];
	vm2 =	vmand vm8, vm9;
	v20 =	vmul.f32 $9.900000090e-01, v19;
	v13 =	vand.u32 $0xFF, v13  }
0x1a0: {  	v14 =	vshra.s32 v16, v63;
	vm11 =	vne.s32 v12, $0x0;
	vm7 =	vmand vm7, vm0  }
0x1a1: {  	v12 =	vand.u32 $0xFF, v14;
	vm12 =	vne.s32 v13, $0x0;
	vm0 =	vmand vm10, vm11  }
0x1a2: {  	v18 =	vsel vm7, v17, v18;
	v17 =	vsel vm14, v19, v20;
	v13 =	vmul.f32 $9.900000090e-01, v9  }
0x1a3: {  	vm13 =	vne.s32 v12, $0x0;
	v15 =	vmul.f32 $9.900000090e-01, v7;
	v16 =	vmul.f32 $9.900000090e-01, v8  }
0x1a4: {  	s23 =	sadd.s32 $0x1, s23;
	s15 =	simm.s32 $0x0;
	s17 =	simm.s32 $0x12190;
	[tilespmem:s14+$0x30] =	vst v36;
	v12 =	vmul.f32 $9.900000090e-01, v10;
	v14 =	vmul.f32 $9.900000090e-01, v11;
	vm3 =	vmand vm12, vm13  }
.LBB2_11:
0x1a5: {  	v19 =	vld [tilespmem:s17+$0xFFFFFFF0];
	v7 =	vsel vm4, v7, v15;
	v8 =	vsel vm1, v8, v16;
	v9 =	vsel vm2, v9, v13  }
0x1a6: {  	s15 =	sadd.s32 $0x80, s15;
	vm1 =	vge.f32 v18, $9.999999770e-03;
	v10 =	vsel vm0, v10, v12;
	v11 =	vsel vm3, v11, v14;
	v13 =	vld [tilespmem:s17+$0x70]  }
0x1a7: {  	vm0 =	vge.f32 v17, $9.999999770e-03;
	p2 =	slt.u32 s15, $0x1600;
	vm2 =	vge.f32 v7, $9.999999770e-03;
	vm3 =	vge.f32 v8, $9.999999770e-03;
	v12 =	vld [tilespmem:s17+$0x0]  }
0x1a8: {  	vm4 =	vge.f32 v9, $9.999999770e-03;
	vm5 =	vge.f32 v10, $9.999999770e-03;
	vm6 =	vge.f32 v11, $9.999999770e-03;
	v14 =	vld [tilespmem:s17+$0xFFFFFF90]  }
0x1a9: {  	v16 =	vnsel vm1, $0x0, v18;
	v17 =	vnsel vm0, $0x0, v17;
	v7 =	vnsel vm2, $0x0, v7;
	v15 =	vld [tilespmem:s17+$0x10]  }
0x1aa: {  	v8 =	vnsel vm3, $0x0, v8;
	v9 =	vnsel vm4, $0x0, v9;
	v18 =	vld [tilespmem:s17+$0xFFFFFFA0];
	v20 =	vshra.s32 v19, $0x2;
	[tilespmem:s14+$0xFFFFFFC0] =	vst v16  }
0x1ab: {  	v10 =	vnsel vm5, $0x0, v10;
	v11 =	vnsel vm6, $0x0, v11;
	v16 =	vld [tilespmem:s17+$0x20];
	v21 =	vshra.s32 v13, $0x2;
	[tilespmem:s14+$0xFFFFFFD0] =	vst v17  }
0x1ac: {  	v17 =	vshra.s32 v12, $0x2;
	v12 =	vshll.u32 v12, $0x3;
	v22 =	vld [tilespmem:s17+$0xFFFFFFB0];
	[tilespmem:s14+$0xFFFFFFE0] =	vst v7  }
0x1ad: {  	v7 =	vand.u32 $0x18, v12;
	v12 =	vshra.s32 v14, $0x2;
	v14 =	vshll.u32 v14, $0x3;
	v23 =	vld [tilespmem:s17+$0x30];
	[tilespmem:s14+$0xFFFFFFF0] =	vst v8  }
0x1ae: {  	v8 =	vshra.s32 v15, $0x2;
	v14 =	vand.u32 $0x18, v14;
	v15 =	vshll.u32 v15, $0x3;
	v24 =	vld [tilespmem:s17+$0xFFFFFFC0];
	[tilespmem:s14+$0x0] =	vst v9  }
0x1af: {  	v9 =	vand.u32 $0x18, v15;
	v15 =	vshra.s32 v18, $0x2;
	v18 =	vshll.u32 v18, $0x3;
	v20 =	vld.idx.msk [tilespmem:v20+s7+$0x0], $0xffff;
	[tilespmem:s14+$0x10] =	vst v10  }
0x1b0: {  	v10 =	vshra.s32 v16, $0x2;
	v18 =	vand.u32 $0x18, v18;
	v16 =	vshll.u32 v16, $0x3;
	v21 =	vld.idx.msk [tilespmem:v21+s7+$0x0], $0xffff;
	[tilespmem:s14+$0x20] =	vst v11  }
0x1b1: {  	v11 =	vand.u32 $0x18, v16;
	v16 =	vshra.s32 v22, $0x2;
	v22 =	vshll.u32 v22, $0x3;
	v25 =	vld [tilespmem:s17+$0x40]  }
0x1b2: {  	s14 =	sadd.s32 $0x80, s14;
	v26 =	vshra.s32 v23, $0x2;
	v22 =	vand.u32 $0x18, v22;
	v23 =	vshll.u32 v23, $0x3;
	v27 =	vld [tilespmem:s17+$0xFFFFFFD0]  }
0x1b3: {  	v23 =	vand.u32 $0x18, v23;
	v28 =	vshra.s32 v24, $0x2;
	v24 =	vshll.u32 v24, $0x3;
	v29 =	vld [tilespmem:s14+$0x30]  }
0x1b4: {  	v19 =	vshll.u32 v19, $0x3;
	v13 =	vshll.u32 v13, $0x3;
	v24 =	vand.u32 $0x18, v24;
	v30 =	vld [tilespmem:s17+$0x50]  }
0x1b5: {  	v19 =	vand.u32 $0x18, v19;
	v13 =	vand.u32 $0x18, v13;
	v31 =	vld [tilespmem:s17+$0xFFFFFFE0]  }
0x1b6: {  	v19 =	vshra.s32 v20, v19;
	v13 =	vshra.s32 v21, v13;
	v32 =	vshra.s32 v25, $0x2;
	v33 =	vld [tilespmem:s17+$0x60]  }
0x1b7: {  	v19 =	vand.u32 $0xFF, v19;
	v13 =	vand.u32 $0xFF, v13;
	v20 =	vld [tilespmem:s17+$0xFFFFFF80];
	v21 =	vshra.s32 v27, $0x2  }
0x1b8: {  	vm0 =	vne.s32 v19, $0x0;
	vm1 =	vne.s32 v13, $0x0;
	v17 =	vld.idx.msk [tilespmem:v17+s7+$0x0], $0xffff;
	v13 =	vmul.f32 $9.900000090e-01, v29  }
0x1b9: {  	v19 =	vshll.u32 v25, $0x3;
	vm0 =	vmand vm0, vm1;
	v12 =	vld.idx.msk [tilespmem:v12+s7+$0x0], $0xffff;
	v25 =	vshra.s32 v30, $0x2  }
0x1ba: {  	v27 =	vshll.u32 v27, $0x3;
	v8 =	vld.idx.msk [tilespmem:v8+s7+$0x0], $0xffff;
	v34 =	vshra.s32 v31, $0x2;
	v13 =	vsel vm0, v29, v13  }
0x1bb: {  	v29 =	vshll.u32 v30, $0x3;
	v15 =	vld.idx.msk [tilespmem:v15+s7+$0x0], $0xffff;
	v30 =	vshra.s32 v33, $0x2;
	vm0 =	vge.f32 v13, $9.999999770e-03  }
0x1bc: {  	v35 =	vshra.s32 v20, $0x2;
	v20 =	vshll.u32 v20, $0x3;
	v10 =	vld.idx.msk [tilespmem:v10+s7+$0x0], $0xffff;
	v13 =	vnsel vm0, $0x0, v13  }
0x1bd: {  	v31 =	vshll.u32 v31, $0x3;
	v33 =	vshll.u32 v33, $0x3;
	v20 =	vand.u32 $0x18, v20;
	v16 =	vld.idx.msk [tilespmem:v16+s7+$0x0], $0xffff;
	[tilespmem:s14+$0x30] =	vst v13  }
0x1be: {  	v19 =	vand.u32 $0x18, v19;
	v13 =	vld.idx.msk [tilespmem:v26+s7+$0x0], $0xffff;
	v26 =	vand.u32 $0x18, v27;
	v27 =	vand.u32 $0x18, v29  }
0x1bf: {  	v7 =	vshra.s32 v17, v7;
	v29 =	vand.u32 $0x18, v33;
	v17 =	vld.idx.msk [tilespmem:v28+s7+$0x0], $0xffff;
	v28 =	vand.u32 $0x18, v31  }
0x1c0: {  	v7 =	vand.u32 $0xFF, v7;
	v12 =	vshra.s32 v12, v14;
	v8 =	vshra.s32 v8, v9;
	v9 =	vld.idx.msk [tilespmem:v32+s7+$0x0], $0xffff  }
0x1c1: {  	v12 =	vand.u32 $0xFF, v12;
	v8 =	vand.u32 $0xFF, v8;
	v15 =	vshra.s32 v15, v18;
	v14 =	vld.idx.msk [tilespmem:v35+s7+$0x0], $0xffff  }
0x1c2: {  	vm0 =	vne.s32 v7, $0x0;
	v7 =	vand.u32 $0xFF, v15;
	v10 =	vshra.s32 v10, v11;
	v11 =	vld.idx.msk [tilespmem:v21+s7+$0x0], $0xffff  }
0x1c3: {  	vm1 =	vne.s32 v12, $0x0;
	v10 =	vand.u32 $0xFF, v10;
	v12 =	vshra.s32 v16, v22;
	v15 =	vld.idx.msk [tilespmem:v25+s7+$0x0], $0xffff  }
0x1c4: {  	vm2 =	vne.s32 v8, $0x0;
	v8 =	vand.u32 $0xFF, v12;
	v12 =	vshra.s32 v13, v23;
	v13 =	vld.idx.msk [tilespmem:v34+s7+$0x0], $0xffff  }
0x1c5: {  	vm3 =	vne.s32 v7, $0x0;
	v12 =	vand.u32 $0xFF, v12;
	v7 =	vshra.s32 v17, v24;
	v16 =	vld.idx.msk [tilespmem:v30+s7+$0x0], $0xffff  }
0x1c6: {  	vm4 =	vne.s32 v10, $0x0;
	v10 =	vand.u32 $0xFF, v7;
	v7 =	vshra.s32 v9, v19;
	v17 =	vld [tilespmem:s14+$0xFFFFFFC0]  }
0x1c7: {  	vm5 =	vne.s32 v8, $0x0;
	v9 =	vshra.s32 v14, v20;
	v14 =	vand.u32 $0xFF, v7;
	v19 =	vld [tilespmem:s14+$0xFFFFFFD0]  }
0x1c8: {  	vm6 =	vne.s32 v12, $0x0;
	v8 =	vand.u32 $0xFF, v9;
	v9 =	vshra.s32 v11, v26;
	v7 =	vld [tilespmem:s14+$0xFFFFFFE0]  }
0x1c9: {  	vm7 =	vne.s32 v8, $0x0;
	v11 =	vand.u32 $0xFF, v9;
	v12 =	vshra.s32 v15, v27;
	v8 =	vld [tilespmem:s14+$0xFFFFFFF0]  }
0x1ca: {  	vm8 =	vne.s32 v10, $0x0;
	v12 =	vand.u32 $0xFF, v12;
	v13 =	vshra.s32 v13, v28;
	v9 =	vld [tilespmem:s14+$0x0]  }
0x1cb: {  	vm9 =	vne.s32 v14, $0x0;
	v13 =	vand.u32 $0xFF, v13;
	v14 =	vshra.s32 v16, v29;
	v10 =	vld [tilespmem:s14+$0x10]  }
0x1cc: {  	vm10 =	vne.s32 v11, $0x0;
	vm11 =	vne.s32 v12, $0x0;
	v12 =	vand.u32 $0xFF, v14;
	v11 =	vld [tilespmem:s14+$0x20]  }
0x1cd: {  	v18 =	vmul.f32 $9.900000090e-01, v17;
	vm12 =	vne.s32 v13, $0x0;
	vm13 =	vne.s32 v12, $0x0  }
.Ltmp4:
0x1ce: {  	vm7 =	vmand vm7, vm0;
	v20 =	vmul.f32 $9.900000090e-01, v19;
	v15 =	vmul.f32 $9.900000090e-01, v7;
	(pc) =	sbr.rel @p2 .LBB2_11-.Ltmp4, $4  }
0x1cf: {  	vm14 =	vmand vm1, vm2;
	v16 =	vmul.f32 $9.900000090e-01, v8;
	v13 =	vmul.f32 $9.900000090e-01, v9  }
0x1d0: {  	vm4 =	vmand vm3, vm4;
	vm1 =	vmand vm5, vm6;
	v12 =	vmul.f32 $9.900000090e-01, v10  }
0x1d1: {  	vm2 =	vmand vm8, vm9;
	vm0 =	vmand vm10, vm11;
	v14 =	vmul.f32 $9.900000090e-01, v11  }
0x1d2: {  	s17 =	sadd.s32 $0x100, s17;
	v18 =	vsel vm7, v17, v18;
	vm3 =	vmand vm12, vm13;
	v17 =	vsel vm14, v19, v20  }
0x1d3: {  	vm5 =	vge.f32 v18, $9.999999770e-03  }
0x1d4: {  	v7 =	vsel vm4, v7, v15;
	vm4 =	vge.f32 v17, $9.999999770e-03;
	v15 =	vnsel vm5, $0x0, v18  }
0x1d5: {  	v8 =	vsel vm1, v8, v16;
	vm1 =	vge.f32 v7, $9.999999770e-03;
	v16 =	vnsel vm4, $0x0, v17;
	[tilespmem:s14+$0xFFFFFFC0] =	vst v15  }
0x1d6: {  	v9 =	vsel vm2, v9, v13;
	vm2 =	vge.f32 v8, $9.999999770e-03;
	v7 =	vnsel vm1, $0x0, v7;
	[tilespmem:s14+$0xFFFFFFD0] =	vst v16  }
0x1d7: {  	v10 =	vsel vm0, v10, v12;
	vm0 =	vge.f32 v9, $9.999999770e-03;
	v8 =	vnsel vm2, $0x0, v8;
	[tilespmem:s14+$0xFFFFFFE0] =	vst v7  }
0x1d8: {  	s15 =	sadd.s32 s13, s21;
	vm1 =	vge.f32 v10, $9.999999770e-03;
	v9 =	vnsel vm0, $0x0, v9;
	v7 =	vsel vm3, v11, v14;
	[tilespmem:s14+$0xFFFFFFF0] =	vst v8  }
0x1d9: {  	s15 =	sshll.u32 s15, $0x4;
	v8 =	vnsel vm1, $0x0, v10;
	[tilespmem:s14+$0x0] =	vst v9;
	vm0 =	vge.f32 v7, $9.999999770e-03  }
0x1da: {  	s15 =	sand.u32 $0x1FFFFFF0, s15;
	[tilespmem:s14+$0x10] =	vst v8;
	v7 =	vnsel vm0, $0x0, v7  }
0x1db: {  	s18 =	sadd.s32 s3, s15;
	[tilespmem:s14+$0x20] =	vst v7;
	s14 =	sadd.s32 @!p1 $0x10E, s21  }
0x1dc: {  	[hbm4b:s18+s7] =	stream.linear.scatter [tilespmem:s30], [sflag:$0x8], $0x1680, $0x38;
	[tilespmem:$0x1EA90] =	vst v63  }
0x1dd: {  	p2 =	slt.s32 @!p1 s14, s9  }
0x1de: {  	p2 =	por !p2, p1  }
0x1df: {  	s15 =	simm.s32 @!p1 $0x7;
	s14 =	smov.u32 @p2 s9  }
0x1e0: {  	_ =	swait.ge @!p1 [sflag:s15], $0x1680;
	s14 =	sadd.s32 @!p1 s8, s14  }
0x1e1: {  	[sflag:s15] =	ssyncset.done @!p1 $0x0;
	s17 =	sshll.u32 @!p1 s14, $0x5  }
0x1e2: {  	s18 =	simm.s32 @!p1 $0xDC90;
	[sflag:s15] =	ssyncadd.s32 @!p1 $0xFFFFE980;
	s15 =	sand.u32 @!p1 $0x1FFFFFE0, s17  }
0x1e3: {  	s14 =	sshll.u32 @!p1 s14, $0x4;
	s17 =	simm.s32 @!p1 $0x0;
	s15 =	sadd.s32 @!p1 s1, s15  }
0x1e4: {  	[tilespmem:s18], [sflag:$0x2] =	stream.linear.gather @!p1 [hbm4b:s15+s17], $0x2D00, $0x38;
	[tilespmem:$0x1EA90] =	vst v63  }
0x1e5: {  	s14 =	sadd.s32 @!p1 s0, s14;
	s15 =	simm.s32 @!p1 $0x10990  }
0x1e6: {  	[tilespmem:s15], [sflag:$0x2] =	stream.linear.gather @!p1 [hbm4b:s14+s17], $0x1680, $0x38;
	[tilespmem:$0x1EA90] =	vst v63  }
0x1e7: {  	_ =	swait.ge [sflag:s10], $0x2D00  }
0x1e8: {  	[sflag:s10] =	ssyncset.done $0x0  }
0x1e9: {  	[sflag:s10] =	ssyncadd.s32 $0xFFFFD300  }
0x1ea: {  	_ =	swait.ge [sflag:s10], $0x1680  }
0x1eb: {  	[sflag:s10] =	ssyncset.done $0x0  }
0x1ec: {  	s24 =	simm.s32 $0x16410;
	[sflag:s10] =	ssyncadd.s32 $0xFFFFE980  }
0x1ed: {  	v7 =	vld [tilespmem:s24+$0xFFFFFFF0]  }
0x1ee: {  	v8 =	vld [tilespmem:s24+$0x70]  }
0x1ef: {  	v9 =	vld [tilespmem:s24+$0x0]  }
0x1f0: {  	v10 =	vld [tilespmem:s24+$0xFFFFFF90]  }
0x1f1: {  	v11 =	vld [tilespmem:s24+$0x10]  }
0x1f2: {  	v12 =	vld [tilespmem:s24+$0xFFFFFFA0]  }
0x1f3: {  	v14 =	vld [tilespmem:s24+$0x20]  }
0x1f4: {  	v17 =	vld [tilespmem:s24+$0xFFFFFFB0]  }
0x1f5: {  	v19 =	vld [tilespmem:s24+$0x30]  }
0x1f6: {  	v21 =	vld [tilespmem:s24+$0xFFFFFFC0]  }
0x1f7: {  	v25 =	vld [tilespmem:s24+$0x40];
	v13 =	vshra.s32 v7, $0x2;
	v15 =	vshra.s32 v8, $0x2;
	v16 =	vshll.u32 v9, $0x3  }
0x1f8: {  	v30 =	vld [tilespmem:s24+$0x50];
	v9 =	vshra.s32 v9, $0x2;
	v18 =	vshra.s32 v10, $0x2;
	v10 =	vshll.u32 v10, $0x3  }
0x1f9: {  	v31 =	vld [tilespmem:s24+$0xFFFFFFE0];
	v20 =	vshra.s32 v11, $0x2;
	v11 =	vshll.u32 v11, $0x3;
	v22 =	vshra.s32 v12, $0x2  }
0x1fa: {  	v33 =	vld [tilespmem:s24+$0x60];
	v12 =	vshll.u32 v12, $0x3;
	v23 =	vshra.s32 v14, $0x2;
	v14 =	vshll.u32 v14, $0x3  }
0x1fb: {  	v24 =	vshra.s32 v17, $0x2;
	v17 =	vshll.u32 v17, $0x3;
	v26 =	vshra.s32 v19, $0x2  }
0x1fc: {  	v19 =	vshll.u32 v19, $0x3;
	v28 =	vshra.s32 v21, $0x2;
	v21 =	vshll.u32 v21, $0x3  }
0x1fd: {  	v27 =	vld [tilespmem:s24+$0xFFFFFFD0];
	v7 =	vshll.u32 v7, $0x3;
	v8 =	vshll.u32 v8, $0x3;
	v32 =	vshra.s32 v25, $0x2  }
0x1fe: {  	v57 =	vshra.s32 v30, $0x2;
	v34 =	vshra.s32 v31, $0x2;
	v58 =	vshll.u32 v30, $0x3;
	v13 =	vld.idx.msk [tilespmem:v13+s7+$0x0], $0xffff  }
0x1ff: {  	v59 =	vshra.s32 v33, $0x2;
	v60 =	vshll.u32 v31, $0x3;
	v61 =	vshll.u32 v33, $0x3;
	v15 =	vld.idx.msk [tilespmem:v15+s7+$0x0], $0xffff  }
0x200: {  	s14 =	simm.s32 $0x190D0;
	v16 =	vand.u32 $0x18, v16;
	v10 =	vand.u32 $0x18, v10;
	v11 =	vand.u32 $0x18, v11;
	v9 =	vld.idx.msk [tilespmem:v9+s7+$0x0], $0xffff  }
0x201: {  	v29 =	vld [tilespmem:s14+$0x30];
	v12 =	vand.u32 $0x18, v12;
	v14 =	vand.u32 $0x18, v14;
	v17 =	vand.u32 $0x18, v17  }
0x202: {  	v19 =	vand.u32 $0x18, v19;
	v21 =	vand.u32 $0x18, v21;
	v7 =	vand.u32 $0x18, v7;
	v22 =	vld.idx.msk [tilespmem:v22+s7+$0x0], $0xffff  }
0x203: {  	v8 =	vand.u32 $0x18, v8;
	v62 =	vand.u32 $0x18, v61;
	v7 =	vshra.s32 v13, v7  }
0x204: {  	v8 =	vshra.s32 v15, v8;
	v13 =	vld [tilespmem:s24+$0xFFFFFF80];
	v15 =	vshra.s32 v27, $0x2;
	v27 =	vshll.u32 v27, $0x3  }
0x205: {  	v9 =	vshra.s32 v9, v16;
	v7 =	vand.u32 $0xFF, v7;
	v8 =	vand.u32 $0xFF, v8  }
0x206: {  	v20 =	vld.idx.msk [tilespmem:v20+s7+$0x0], $0xffff;
	vm0 =	vne.s32 v7, $0x0;
	vm1 =	vne.s32 v8, $0x0;
	v7 =	vmul.f32 $9.900000090e-01, v29  }
0x207: {  	v12 =	vshra.s32 v22, v12;
	v27 =	vand.u32 $0x18, v27;
	v8 =	vld.idx.msk [tilespmem:v18+s7+$0x0], $0xffff;
	vm0 =	vmand vm0, vm1  }
0x208: {  	v23 =	vld.idx.msk [tilespmem:v23+s7+$0x0], $0xffff;
	v9 =	vand.u32 $0xFF, v9;
	v18 =	vshll.u32 v25, $0x3;
	v7 =	vsel vm0, v29, v7  }
0x209: {  	v26 =	vld.idx.msk [tilespmem:v26+s7+$0x0], $0xffff;
	vm0 =	vge.f32 v7, $9.999999770e-03;
	v35 =	vshra.s32 v13, $0x2;
	v13 =	vshll.u32 v13, $0x3  }
0x20a: {  	v18 =	vand.u32 $0x18, v18;
	v36 =	vnsel vm0, $0x0, v7;
	v7 =	vand.u32 $0x18, v13;
	v13 =	vld.idx.msk [tilespmem:v24+s7+$0x0], $0xffff  }
0x20b: {  	v16 =	vld.idx.msk [tilespmem:v28+s7+$0x0], $0xffff;
	v29 =	vand.u32 $0x18, v58;
	v24 =	vand.u32 $0x18, v60;
	vm0 =	vne.s32 v9, $0x0  }
0x20c: {  	v9 =	vand.u32 $0xFF, v12;
	v8 =	vshra.s32 v8, v10;
	v10 =	vshra.s32 v20, v11;
	v11 =	vld.idx.msk [tilespmem:v32+s7+$0x0], $0xffff  }
0x20d: {  	v12 =	vshra.s32 v23, v14;
	v14 =	vld.idx.msk [tilespmem:v15+s7+$0x0], $0xffff;
	vm3 =	vne.s32 v9, $0x0;
	v8 =	vand.u32 $0xFF, v8  }
0x20e: {  	v15 =	vld.idx.msk [tilespmem:v34+s7+$0x0], $0xffff;
	v10 =	vand.u32 $0xFF, v10;
	vm1 =	vne.s32 v8, $0x0;
	v8 =	vand.u32 $0xFF, v12  }
0x20f: {  	vm2 =	vne.s32 v10, $0x0;
	v20 =	vld.idx.msk [tilespmem:v35+s7+$0x0], $0xffff;
	vm4 =	vne.s32 v8, $0x0;
	v12 =	vshra.s32 v13, v17  }
0x210: {  	vm1 =	vmand vm1, vm2;
	v13 =	vld.idx.msk [tilespmem:v57+s7+$0x0], $0xffff;
	v10 =	vand.u32 $0xFF, v12;
	v12 =	vshra.s32 v26, v19  }
0x211: {  	vm4 =	vmand vm3, vm4;
	v19 =	vld [tilespmem:s14+$0xFFFFFFC0];
	v8 =	vshra.s32 v11, v18;
	v9 =	vand.u32 $0xFF, v12  }
0x212: {  	v12 =	vshra.s32 v16, v21;
	v16 =	vld.idx.msk [tilespmem:v59+s7+$0x0], $0xffff;
	vm5 =	vne.s32 v10, $0x0;
	v10 =	vand.u32 $0xFF, v8  }
0x213: {  	vm6 =	vne.s32 v9, $0x0;
	v9 =	vshra.s32 v14, v27;
	vm9 =	vne.s32 v10, $0x0;
	v10 =	vld [tilespmem:s14+$0x10]  }
0x214: {  	v12 =	vand.u32 $0xFF, v12;
	v7 =	vshra.s32 v20, v7;
	v20 =	vld [tilespmem:s14+$0xFFFFFFD0];
	v11 =	vand.u32 $0xFF, v9  }
0x215: {  	vm8 =	vne.s32 v12, $0x0;
	v9 =	vld [tilespmem:s14+$0x0];
	vm2 =	vmand vm5, vm6;
	v8 =	vand.u32 $0xFF, v7  }
0x216: {  	v7 =	vld [tilespmem:s14+$0xFFFFFFE0];
	v13 =	vshra.s32 v13, v29;
	vm10 =	vne.s32 v11, $0x0;
	vm3 =	vmand vm8, vm9  }
0x217: {  	vm7 =	vne.s32 v8, $0x0;
	v8 =	vld [tilespmem:s14+$0xFFFFFFF0];
	v12 =	vand.u32 $0xFF, v13;
	v13 =	vshra.s32 v15, v24  }
0x218: {  	v11 =	vld [tilespmem:s14+$0x20];
	v13 =	vand.u32 $0xFF, v13;
	v14 =	vshra.s32 v16, v62;
	vm11 =	vne.s32 v12, $0x0  }
0x219: {  	v16 =	vmul.f32 $9.900000090e-01, v19;
	vm7 =	vmand vm7, vm0;
	v12 =	vand.u32 $0xFF, v14  }
0x21a: {  	vm12 =	vne.s32 v13, $0x0;
	vm0 =	vmand vm10, vm11;
	v63 =	vmul.f32 $9.900000090e-01, v20  }
0x21b: {  	vm13 =	vne.s32 v12, $0x0;
	v13 =	vmul.f32 $9.900000090e-01, v9;
	v12 =	vmul.f32 $9.900000090e-01, v10  }
0x21c: {  	v18 =	vsel vm7, v19, v16;
	v15 =	vmul.f32 $9.900000090e-01, v7;
	v17 =	vmul.f32 $9.900000090e-01, v8  }
0x21d: {  	s15 =	simm.s32 $0x0;
	s17 =	simm.s32 $0x16510;
	[tilespmem:s14+$0x30] =	vst v36;
	v14 =	vmul.f32 $9.900000090e-01, v11;
	v16 =	vsel vm1, v20, v63;
	vm1 =	vmand vm12, vm13  }
.LBB2_13:
0x21e: {  	v19 =	vld [tilespmem:s17+$0xFFFFFFF0];
	v7 =	vsel vm4, v7, v15;
	v8 =	vsel vm2, v8, v17;
	v9 =	vsel vm3, v9, v13  }
0x21f: {  	s15 =	sadd.s32 $0x80, s15;
	vm2 =	vge.f32 v18, $9.999999770e-03;
	v10 =	vsel vm0, v10, v12;
	v11 =	vsel vm1, v11, v14;
	v13 =	vld [tilespmem:s17+$0x70]  }
0x220: {  	vm0 =	vge.f32 v16, $9.999999770e-03;
	p2 =	slt.u32 s15, $0x1600;
	vm1 =	vge.f32 v7, $9.999999770e-03;
	vm3 =	vge.f32 v8, $9.999999770e-03;
	v12 =	vld [tilespmem:s17+$0x0]  }
0x221: {  	vm4 =	vge.f32 v9, $9.999999770e-03;
	vm5 =	vge.f32 v10, $9.999999770e-03;
	vm6 =	vge.f32 v11, $9.999999770e-03;
	v14 =	vld [tilespmem:s17+$0xFFFFFF90]  }
0x222: {  	v17 =	vnsel vm2, $0x0, v18;
	v16 =	vnsel vm0, $0x0, v16;
	v7 =	vnsel vm1, $0x0, v7;
	v15 =	vld [tilespmem:s17+$0x10]  }
0x223: {  	v8 =	vnsel vm3, $0x0, v8;
	v9 =	vnsel vm4, $0x0, v9;
	v18 =	vld [tilespmem:s17+$0xFFFFFFA0];
	v20 =	vshra.s32 v19, $0x2;
	[tilespmem:s14+$0xFFFFFFC0] =	vst v17  }
0x224: {  	v10 =	vnsel vm5, $0x0, v10;
	v11 =	vnsel vm6, $0x0, v11;
	v17 =	vld [tilespmem:s17+$0x20];
	v21 =	vshra.s32 v13, $0x2;
	[tilespmem:s14+$0xFFFFFFD0] =	vst v16  }
0x225: {  	v16 =	vshra.s32 v12, $0x2;
	v12 =	vshll.u32 v12, $0x3;
	v22 =	vld [tilespmem:s17+$0xFFFFFFB0];
	[tilespmem:s14+$0xFFFFFFE0] =	vst v7  }
0x226: {  	v7 =	vand.u32 $0x18, v12;
	v12 =	vshra.s32 v14, $0x2;
	v14 =	vshll.u32 v14, $0x3;
	v23 =	vld [tilespmem:s17+$0x30];
	[tilespmem:s14+$0xFFFFFFF0] =	vst v8  }
0x227: {  	v8 =	vshra.s32 v15, $0x2;
	v14 =	vand.u32 $0x18, v14;
	v15 =	vshll.u32 v15, $0x3;
	v24 =	vld [tilespmem:s17+$0xFFFFFFC0];
	[tilespmem:s14+$0x0] =	vst v9  }
0x228: {  	v9 =	vand.u32 $0x18, v15;
	v15 =	vshra.s32 v18, $0x2;
	v18 =	vshll.u32 v18, $0x3;
	v20 =	vld.idx.msk [tilespmem:v20+s7+$0x0], $0xffff;
	[tilespmem:s14+$0x10] =	vst v10  }
0x229: {  	v10 =	vshra.s32 v17, $0x2;
	v18 =	vand.u32 $0x18, v18;
	v17 =	vshll.u32 v17, $0x3;
	v21 =	vld.idx.msk [tilespmem:v21+s7+$0x0], $0xffff;
	[tilespmem:s14+$0x20] =	vst v11  }
0x22a: {  	v11 =	vand.u32 $0x18, v17;
	v17 =	vshra.s32 v22, $0x2;
	v22 =	vshll.u32 v22, $0x3;
	v25 =	vld [tilespmem:s17+$0x40]  }
0x22b: {  	s14 =	sadd.s32 $0x80, s14;
	v26 =	vshra.s32 v23, $0x2;
	v22 =	vand.u32 $0x18, v22;
	v23 =	vshll.u32 v23, $0x3;
	v27 =	vld [tilespmem:s17+$0xFFFFFFD0]  }
0x22c: {  	v23 =	vand.u32 $0x18, v23;
	v28 =	vshra.s32 v24, $0x2;
	v24 =	vshll.u32 v24, $0x3;
	v29 =	vld [tilespmem:s14+$0x30]  }
0x22d: {  	v19 =	vshll.u32 v19, $0x3;
	v13 =	vshll.u32 v13, $0x3;
	v24 =	vand.u32 $0x18, v24;
	v30 =	vld [tilespmem:s17+$0x50]  }
0x22e: {  	v19 =	vand.u32 $0x18, v19;
	v13 =	vand.u32 $0x18, v13;
	v31 =	vld [tilespmem:s17+$0xFFFFFFE0]  }
0x22f: {  	v19 =	vshra.s32 v20, v19;
	v13 =	vshra.s32 v21, v13;
	v32 =	vshra.s32 v25, $0x2;
	v33 =	vld [tilespmem:s17+$0x60]  }
0x230: {  	v19 =	vand.u32 $0xFF, v19;
	v13 =	vand.u32 $0xFF, v13;
	v20 =	vld [tilespmem:s17+$0xFFFFFF80];
	v21 =	vshra.s32 v27, $0x2  }
0x231: {  	vm0 =	vne.s32 v19, $0x0;
	vm1 =	vne.s32 v13, $0x0;
	v16 =	vld.idx.msk [tilespmem:v16+s7+$0x0], $0xffff;
	v13 =	vmul.f32 $9.900000090e-01, v29  }
0x232: {  	v19 =	vshll.u32 v25, $0x3;
	vm0 =	vmand vm0, vm1;
	v12 =	vld.idx.msk [tilespmem:v12+s7+$0x0], $0xffff;
	v25 =	vshra.s32 v30, $0x2  }
0x233: {  	v27 =	vshll.u32 v27, $0x3;
	v8 =	vld.idx.msk [tilespmem:v8+s7+$0x0], $0xffff;
	v34 =	vshra.s32 v31, $0x2;
	v13 =	vsel vm0, v29, v13  }
0x234: {  	v29 =	vshll.u32 v30, $0x3;
	v15 =	vld.idx.msk [tilespmem:v15+s7+$0x0], $0xffff;
	v30 =	vshra.s32 v33, $0x2;
	vm0 =	vge.f32 v13, $9.999999770e-03  }
0x235: {  	v35 =	vshra.s32 v20, $0x2;
	v20 =	vshll.u32 v20, $0x3;
	v10 =	vld.idx.msk [tilespmem:v10+s7+$0x0], $0xffff;
	v13 =	vnsel vm0, $0x0, v13  }
0x236: {  	v31 =	vshll.u32 v31, $0x3;
	v33 =	vshll.u32 v33, $0x3;
	v20 =	vand.u32 $0x18, v20;
	v17 =	vld.idx.msk [tilespmem:v17+s7+$0x0], $0xffff;
	[tilespmem:s14+$0x30] =	vst v13  }
0x237: {  	v19 =	vand.u32 $0x18, v19;
	v13 =	vld.idx.msk [tilespmem:v26+s7+$0x0], $0xffff;
	v26 =	vand.u32 $0x18, v27;
	v27 =	vand.u32 $0x18, v29  }
0x238: {  	v7 =	vshra.s32 v16, v7;
	v29 =	vand.u32 $0x18, v33;
	v16 =	vld.idx.msk [tilespmem:v28+s7+$0x0], $0xffff;
	v28 =	vand.u32 $0x18, v31  }
0x239: {  	v7 =	vand.u32 $0xFF, v7;
	v12 =	vshra.s32 v12, v14;
	v8 =	vshra.s32 v8, v9;
	v9 =	vld.idx.msk [tilespmem:v32+s7+$0x0], $0xffff  }
0x23a: {  	v12 =	vand.u32 $0xFF, v12;
	v8 =	vand.u32 $0xFF, v8;
	v15 =	vshra.s32 v15, v18;
	v14 =	vld.idx.msk [tilespmem:v35+s7+$0x0], $0xffff  }
0x23b: {  	vm0 =	vne.s32 v7, $0x0;
	v7 =	vand.u32 $0xFF, v15;
	v10 =	vshra.s32 v10, v11;
	v11 =	vld.idx.msk [tilespmem:v21+s7+$0x0], $0xffff  }
0x23c: {  	vm1 =	vne.s32 v12, $0x0;
	v10 =	vand.u32 $0xFF, v10;
	v12 =	vshra.s32 v17, v22;
	v15 =	vld.idx.msk [tilespmem:v25+s7+$0x0], $0xffff  }
0x23d: {  	vm2 =	vne.s32 v8, $0x0;
	v8 =	vand.u32 $0xFF, v12;
	v12 =	vshra.s32 v13, v23;
	v13 =	vld.idx.msk [tilespmem:v34+s7+$0x0], $0xffff  }
0x23e: {  	vm3 =	vne.s32 v7, $0x0;
	v12 =	vand.u32 $0xFF, v12;
	v7 =	vshra.s32 v16, v24;
	v16 =	vld.idx.msk [tilespmem:v30+s7+$0x0], $0xffff  }
0x23f: {  	vm4 =	vne.s32 v10, $0x0;
	v10 =	vand.u32 $0xFF, v7;
	v7 =	vshra.s32 v9, v19;
	v18 =	vld [tilespmem:s14+$0xFFFFFFC0]  }
0x240: {  	vm5 =	vne.s32 v8, $0x0;
	v9 =	vshra.s32 v14, v20;
	v14 =	vand.u32 $0xFF, v7;
	v19 =	vld [tilespmem:s14+$0xFFFFFFD0]  }
0x241: {  	vm6 =	vne.s32 v12, $0x0;
	v8 =	vand.u32 $0xFF, v9;
	v9 =	vshra.s32 v11, v26;
	v7 =	vld [tilespmem:s14+$0xFFFFFFE0]  }
0x242: {  	vm7 =	vne.s32 v8, $0x0;
	v11 =	vand.u32 $0xFF, v9;
	v12 =	vshra.s32 v15, v27;
	v8 =	vld [tilespmem:s14+$0xFFFFFFF0]  }
0x243: {  	vm8 =	vne.s32 v10, $0x0;
	v12 =	vand.u32 $0xFF, v12;
	v13 =	vshra.s32 v13, v28;
	v9 =	vld [tilespmem:s14+$0x0]  }
0x244: {  	vm9 =	vne.s32 v14, $0x0;
	v13 =	vand.u32 $0xFF, v13;
	v14 =	vshra.s32 v16, v29;
	v10 =	vld [tilespmem:s14+$0x10]  }
0x245: {  	vm10 =	vne.s32 v11, $0x0;
	vm11 =	vne.s32 v12, $0x0;
	v12 =	vand.u32 $0xFF, v14;
	v11 =	vld [tilespmem:s14+$0x20]  }
0x246: {  	v16 =	vmul.f32 $9.900000090e-01, v18;
	vm12 =	vne.s32 v13, $0x0;
	vm13 =	vne.s32 v12, $0x0  }
.Ltmp5:
0x247: {  	vm7 =	vmand vm7, vm0;
	v20 =	vmul.f32 $9.900000090e-01, v19;
	v15 =	vmul.f32 $9.900000090e-01, v7;
	(pc) =	sbr.rel @p2 .LBB2_13-.Ltmp5, $4  }
0x248: {  	vm1 =	vmand vm1, vm2;
	v17 =	vmul.f32 $9.900000090e-01, v8;
	v13 =	vmul.f32 $9.900000090e-01, v9  }
0x249: {  	vm4 =	vmand vm3, vm4;
	vm2 =	vmand vm5, vm6;
	v12 =	vmul.f32 $9.900000090e-01, v10  }
0x24a: {  	vm3 =	vmand vm8, vm9;
	vm0 =	vmand vm10, vm11;
	v14 =	vmul.f32 $9.900000090e-01, v11  }
0x24b: {  	s17 =	sadd.s32 $0x100, s17;
	v18 =	vsel vm7, v18, v16;
	v16 =	vsel vm1, v19, v20;
	vm1 =	vmand vm12, vm13  }
0x24c: {  	vm5 =	vge.f32 v18, $9.999999770e-03  }
0x24d: {  	v7 =	vsel vm4, v7, v15;
	vm4 =	vge.f32 v16, $9.999999770e-03;
	v15 =	vnsel vm5, $0x0, v18  }
0x24e: {  	v8 =	vsel vm2, v8, v17;
	vm2 =	vge.f32 v7, $9.999999770e-03;
	v16 =	vnsel vm4, $0x0, v16;
	[tilespmem:s14+$0xFFFFFFC0] =	vst v15  }
0x24f: {  	v9 =	vsel vm3, v9, v13;
	vm3 =	vge.f32 v8, $9.999999770e-03;
	v7 =	vnsel vm2, $0x0, v7;
	[tilespmem:s14+$0xFFFFFFD0] =	vst v16  }
0x250: {  	v10 =	vsel vm0, v10, v12;
	vm0 =	vge.f32 v9, $9.999999770e-03;
	v8 =	vnsel vm3, $0x0, v8;
	[tilespmem:s14+$0xFFFFFFE0] =	vst v7  }
0x251: {  	s15 =	sadd.s32 s16, s21;
	v9 =	vnsel vm0, $0x0, v9;
	v7 =	vsel vm1, v11, v14;
	vm1 =	vge.f32 v10, $9.999999770e-03;
	[tilespmem:s14+$0xFFFFFFF0] =	vst v8  }
0x252: {  	s15 =	sshll.u32 s15, $0x4;
	[tilespmem:s14+$0x0] =	vst v9;
	vm0 =	vge.f32 v7, $9.999999770e-03;
	v8 =	vnsel vm1, $0x0, v10  }
0x253: {  	s15 =	sand.u32 $0x1FFFFFF0, s15;
	v7 =	vnsel vm0, $0x0, v7;
	[tilespmem:s14+$0x10] =	vst v8  }
0x254: {  	s18 =	sadd.s32 s3, s15;
	[tilespmem:s14+$0x20] =	vst v7;
	s14 =	sadd.s32 @!p1 $0x13B, s21  }
0x255: {  	[hbm4b:s18+s7] =	stream.linear.scatter [tilespmem:s5], [sflag:$0x9], $0x1680, $0x38;
	[tilespmem:$0x1EA90] =	vst v63  }
0x256: {  	p2 =	slt.s32 @!p1 s14, s9  }
0x257: {  	p2 =	por !p2, p1  }
0x258: {  	s15 =	simm.s32 @!p1 $0x8;
	s14 =	smov.u32 @p2 s9  }
0x259: {  	_ =	swait.ge @!p1 [sflag:s15], $0x1680;
	s14 =	sadd.s32 @!p1 s8, s14  }
0x25a: {  	[sflag:s15] =	ssyncset.done @!p1 $0x0;
	s17 =	sshll.u32 @!p1 s14, $0x5  }
0x25b: {  	s18 =	simm.s32 @!p1 $0x12010;
	[sflag:s15] =	ssyncadd.s32 @!p1 $0xFFFFE980;
	s15 =	sand.u32 @!p1 $0x1FFFFFE0, s17  }
0x25c: {  	s14 =	sshll.u32 @!p1 s14, $0x4;
	s17 =	simm.s32 @!p1 $0x0;
	s15 =	sadd.s32 @!p1 s1, s15  }
0x25d: {  	[tilespmem:s18], [sflag:$0x3] =	stream.linear.gather @!p1 [hbm4b:s15+s17], $0x2D00, $0x38;
	[tilespmem:$0x1EA90] =	vst v63  }
0x25e: {  	s14 =	sadd.s32 @!p1 s0, s14;
	s15 =	simm.s32 @!p1 $0x14D10  }
0x25f: {  	[tilespmem:s15], [sflag:$0x3] =	stream.linear.gather @!p1 [hbm4b:s14+s17], $0x1680, $0x38;
	[tilespmem:$0x1EA90] =	vst v63  }
0x260: {  	_ =	swait.ge [sflag:s12], $0x2D00  }
0x261: {  	[sflag:s12] =	ssyncset.done $0x0  }
0x262: {  	[sflag:s12] =	ssyncadd.s32 $0xFFFFD300  }
0x263: {  	_ =	swait.ge [sflag:s12], $0x1680  }
0x264: {  	[sflag:s12] =	ssyncset.done $0x0  }
0x265: {  	s24 =	simm.s32 $0x1A790;
	[sflag:s12] =	ssyncadd.s32 $0xFFFFE980  }
0x266: {  	v7 =	vld [tilespmem:s24+$0xFFFFFFF0]  }
0x267: {  	v8 =	vld [tilespmem:s24+$0x70]  }
0x268: {  	v9 =	vld [tilespmem:s24+$0x0]  }
0x269: {  	v10 =	vld [tilespmem:s24+$0xFFFFFF90]  }
0x26a: {  	v11 =	vld [tilespmem:s24+$0x10]  }
0x26b: {  	v12 =	vld [tilespmem:s24+$0xFFFFFFA0]  }
0x26c: {  	v14 =	vld [tilespmem:s24+$0x20]  }
0x26d: {  	v17 =	vld [tilespmem:s24+$0xFFFFFFB0]  }
0x26e: {  	v19 =	vld [tilespmem:s24+$0x30]  }
0x26f: {  	v21 =	vld [tilespmem:s24+$0xFFFFFFC0]  }
0x270: {  	v25 =	vld [tilespmem:s24+$0x40];
	v13 =	vshra.s32 v7, $0x2;
	v15 =	vshra.s32 v8, $0x2;
	v16 =	vshll.u32 v9, $0x3  }
0x271: {  	v30 =	vld [tilespmem:s24+$0x50];
	v9 =	vshra.s32 v9, $0x2;
	v18 =	vshra.s32 v10, $0x2;
	v10 =	vshll.u32 v10, $0x3  }
0x272: {  	v31 =	vld [tilespmem:s24+$0xFFFFFFE0];
	v20 =	vshra.s32 v11, $0x2;
	v11 =	vshll.u32 v11, $0x3;
	v22 =	vshra.s32 v12, $0x2  }
0x273: {  	v33 =	vld [tilespmem:s24+$0x60];
	v12 =	vshll.u32 v12, $0x3;
	v23 =	vshra.s32 v14, $0x2;
	v14 =	vshll.u32 v14, $0x3  }
0x274: {  	v24 =	vshra.s32 v17, $0x2;
	v17 =	vshll.u32 v17, $0x3;
	v26 =	vshra.s32 v19, $0x2  }
0x275: {  	v19 =	vshll.u32 v19, $0x3;
	v28 =	vshra.s32 v21, $0x2;
	v21 =	vshll.u32 v21, $0x3  }
0x276: {  	v27 =	vld [tilespmem:s24+$0xFFFFFFD0];
	v7 =	vshll.u32 v7, $0x3;
	v8 =	vshll.u32 v8, $0x3;
	v32 =	vshra.s32 v25, $0x2  }
0x277: {  	v57 =	vshra.s32 v30, $0x2;
	v34 =	vshra.s32 v31, $0x2;
	v58 =	vshll.u32 v30, $0x3;
	v13 =	vld.idx.msk [tilespmem:v13+s7+$0x0], $0xffff  }
0x278: {  	v59 =	vshra.s32 v33, $0x2;
	v60 =	vshll.u32 v31, $0x3;
	v61 =	vshll.u32 v33, $0x3;
	v15 =	vld.idx.msk [tilespmem:v15+s7+$0x0], $0xffff  }
0x279: {  	s14 =	simm.s32 $0x1D450;
	v16 =	vand.u32 $0x18, v16;
	v10 =	vand.u32 $0x18, v10;
	v11 =	vand.u32 $0x18, v11;
	v9 =	vld.idx.msk [tilespmem:v9+s7+$0x0], $0xffff  }
0x27a: {  	v29 =	vld [tilespmem:s14+$0x30];
	v12 =	vand.u32 $0x18, v12;
	v14 =	vand.u32 $0x18, v14;
	v17 =	vand.u32 $0x18, v17  }
0x27b: {  	v19 =	vand.u32 $0x18, v19;
	v21 =	vand.u32 $0x18, v21;
	v7 =	vand.u32 $0x18, v7;
	v22 =	vld.idx.msk [tilespmem:v22+s7+$0x0], $0xffff  }
0x27c: {  	v8 =	vand.u32 $0x18, v8;
	v62 =	vand.u32 $0x18, v61;
	v7 =	vshra.s32 v13, v7  }
0x27d: {  	v8 =	vshra.s32 v15, v8;
	v13 =	vld [tilespmem:s24+$0xFFFFFF80];
	v15 =	vshra.s32 v27, $0x2;
	v27 =	vshll.u32 v27, $0x3  }
0x27e: {  	v9 =	vshra.s32 v9, v16;
	v7 =	vand.u32 $0xFF, v7;
	v8 =	vand.u32 $0xFF, v8  }
0x27f: {  	v20 =	vld.idx.msk [tilespmem:v20+s7+$0x0], $0xffff;
	vm0 =	vne.s32 v7, $0x0;
	vm1 =	vne.s32 v8, $0x0;
	v7 =	vmul.f32 $9.900000090e-01, v29  }
0x280: {  	v12 =	vshra.s32 v22, v12;
	v27 =	vand.u32 $0x18, v27;
	v8 =	vld.idx.msk [tilespmem:v18+s7+$0x0], $0xffff;
	vm0 =	vmand vm0, vm1  }
0x281: {  	v23 =	vld.idx.msk [tilespmem:v23+s7+$0x0], $0xffff;
	v9 =	vand.u32 $0xFF, v9;
	v18 =	vshll.u32 v25, $0x3;
	v7 =	vsel vm0, v29, v7  }
0x282: {  	v26 =	vld.idx.msk [tilespmem:v26+s7+$0x0], $0xffff;
	vm0 =	vge.f32 v7, $9.999999770e-03;
	v35 =	vshra.s32 v13, $0x2;
	v13 =	vshll.u32 v13, $0x3  }
0x283: {  	v18 =	vand.u32 $0x18, v18;
	v36 =	vnsel vm0, $0x0, v7;
	v7 =	vand.u32 $0x18, v13;
	v13 =	vld.idx.msk [tilespmem:v24+s7+$0x0], $0xffff  }
0x284: {  	v16 =	vld.idx.msk [tilespmem:v28+s7+$0x0], $0xffff;
	v29 =	vand.u32 $0x18, v58;
	v24 =	vand.u32 $0x18, v60;
	vm0 =	vne.s32 v9, $0x0  }
0x285: {  	v9 =	vand.u32 $0xFF, v12;
	v8 =	vshra.s32 v8, v10;
	v10 =	vshra.s32 v20, v11;
	v11 =	vld.idx.msk [tilespmem:v32+s7+$0x0], $0xffff  }
0x286: {  	v12 =	vshra.s32 v23, v14;
	v14 =	vld.idx.msk [tilespmem:v15+s7+$0x0], $0xffff;
	vm3 =	vne.s32 v9, $0x0;
	v8 =	vand.u32 $0xFF, v8  }
0x287: {  	v15 =	vld.idx.msk [tilespmem:v34+s7+$0x0], $0xffff;
	v10 =	vand.u32 $0xFF, v10;
	vm1 =	vne.s32 v8, $0x0;
	v8 =	vand.u32 $0xFF, v12  }
0x288: {  	vm2 =	vne.s32 v10, $0x0;
	v20 =	vld.idx.msk [tilespmem:v35+s7+$0x0], $0xffff;
	vm4 =	vne.s32 v8, $0x0;
	v12 =	vshra.s32 v13, v17  }
0x289: {  	vm1 =	vmand vm1, vm2;
	v13 =	vld.idx.msk [tilespmem:v57+s7+$0x0], $0xffff;
	v10 =	vand.u32 $0xFF, v12;
	v12 =	vshra.s32 v26, v19  }
0x28a: {  	vm4 =	vmand vm3, vm4;
	v19 =	vld [tilespmem:s14+$0xFFFFFFC0];
	v8 =	vshra.s32 v11, v18;
	v9 =	vand.u32 $0xFF, v12  }
0x28b: {  	v12 =	vshra.s32 v16, v21;
	v16 =	vld.idx.msk [tilespmem:v59+s7+$0x0], $0xffff;
	vm5 =	vne.s32 v10, $0x0;
	v10 =	vand.u32 $0xFF, v8  }
0x28c: {  	vm6 =	vne.s32 v9, $0x0;
	v9 =	vshra.s32 v14, v27;
	vm9 =	vne.s32 v10, $0x0;
	v10 =	vld [tilespmem:s14+$0x10]  }
0x28d: {  	v12 =	vand.u32 $0xFF, v12;
	v7 =	vshra.s32 v20, v7;
	v20 =	vld [tilespmem:s14+$0xFFFFFFD0];
	v11 =	vand.u32 $0xFF, v9  }
0x28e: {  	vm8 =	vne.s32 v12, $0x0;
	v9 =	vld [tilespmem:s14+$0x0];
	vm2 =	vmand vm5, vm6;
	v8 =	vand.u32 $0xFF, v7  }
0x28f: {  	v7 =	vld [tilespmem:s14+$0xFFFFFFE0];
	v13 =	vshra.s32 v13, v29;
	vm10 =	vne.s32 v11, $0x0;
	vm3 =	vmand vm8, vm9  }
0x290: {  	vm7 =	vne.s32 v8, $0x0;
	v8 =	vld [tilespmem:s14+$0xFFFFFFF0];
	v12 =	vand.u32 $0xFF, v13;
	v13 =	vshra.s32 v15, v24  }
0x291: {  	v11 =	vld [tilespmem:s14+$0x20];
	v13 =	vand.u32 $0xFF, v13;
	v14 =	vshra.s32 v16, v62;
	vm11 =	vne.s32 v12, $0x0  }
0x292: {  	v16 =	vmul.f32 $9.900000090e-01, v19;
	vm7 =	vmand vm7, vm0;
	v12 =	vand.u32 $0xFF, v14  }
0x293: {  	vm12 =	vne.s32 v13, $0x0;
	vm0 =	vmand vm10, vm11;
	v63 =	vmul.f32 $9.900000090e-01, v20  }
0x294: {  	vm13 =	vne.s32 v12, $0x0;
	v13 =	vmul.f32 $9.900000090e-01, v9;
	v12 =	vmul.f32 $9.900000090e-01, v10  }
0x295: {  	v18 =	vsel vm7, v19, v16;
	v15 =	vmul.f32 $9.900000090e-01, v7;
	v17 =	vmul.f32 $9.900000090e-01, v8  }
0x296: {  	s15 =	simm.s32 $0x0;
	s17 =	simm.s32 $0x1A890;
	[tilespmem:s14+$0x30] =	vst v36;
	v14 =	vmul.f32 $9.900000090e-01, v11;
	v16 =	vsel vm1, v20, v63;
	vm1 =	vmand vm12, vm13  }
.LBB2_15:
0x297: {  	v19 =	vld [tilespmem:s17+$0xFFFFFFF0];
	v7 =	vsel vm4, v7, v15;
	v8 =	vsel vm2, v8, v17;
	v9 =	vsel vm3, v9, v13  }
0x298: {  	s15 =	sadd.s32 $0x80, s15;
	vm2 =	vge.f32 v18, $9.999999770e-03;
	v10 =	vsel vm0, v10, v12;
	v11 =	vsel vm1, v11, v14;
	v13 =	vld [tilespmem:s17+$0x70]  }
0x299: {  	vm0 =	vge.f32 v16, $9.999999770e-03;
	p2 =	slt.u32 s15, $0x1600;
	vm1 =	vge.f32 v7, $9.999999770e-03;
	vm3 =	vge.f32 v8, $9.999999770e-03;
	v12 =	vld [tilespmem:s17+$0x0]  }
0x29a: {  	vm4 =	vge.f32 v9, $9.999999770e-03;
	vm5 =	vge.f32 v10, $9.999999770e-03;
	vm6 =	vge.f32 v11, $9.999999770e-03;
	v14 =	vld [tilespmem:s17+$0xFFFFFF90]  }
0x29b: {  	v17 =	vnsel vm2, $0x0, v18;
	v16 =	vnsel vm0, $0x0, v16;
	v7 =	vnsel vm1, $0x0, v7;
	v15 =	vld [tilespmem:s17+$0x10]  }
0x29c: {  	v8 =	vnsel vm3, $0x0, v8;
	v9 =	vnsel vm4, $0x0, v9;
	v18 =	vld [tilespmem:s17+$0xFFFFFFA0];
	v20 =	vshra.s32 v19, $0x2;
	[tilespmem:s14+$0xFFFFFFC0] =	vst v17  }
0x29d: {  	v10 =	vnsel vm5, $0x0, v10;
	v11 =	vnsel vm6, $0x0, v11;
	v17 =	vld [tilespmem:s17+$0x20];
	v21 =	vshra.s32 v13, $0x2;
	[tilespmem:s14+$0xFFFFFFD0] =	vst v16  }
0x29e: {  	v16 =	vshra.s32 v12, $0x2;
	v12 =	vshll.u32 v12, $0x3;
	v22 =	vld [tilespmem:s17+$0xFFFFFFB0];
	[tilespmem:s14+$0xFFFFFFE0] =	vst v7  }
0x29f: {  	v7 =	vand.u32 $0x18, v12;
	v12 =	vshra.s32 v14, $0x2;
	v14 =	vshll.u32 v14, $0x3;
	v23 =	vld [tilespmem:s17+$0x30];
	[tilespmem:s14+$0xFFFFFFF0] =	vst v8  }
0x2a0: {  	v8 =	vshra.s32 v15, $0x2;
	v14 =	vand.u32 $0x18, v14;
	v15 =	vshll.u32 v15, $0x3;
	v24 =	vld [tilespmem:s17+$0xFFFFFFC0];
	[tilespmem:s14+$0x0] =	vst v9  }
0x2a1: {  	v9 =	vand.u32 $0x18, v15;
	v15 =	vshra.s32 v18, $0x2;
	v18 =	vshll.u32 v18, $0x3;
	v20 =	vld.idx.msk [tilespmem:v20+s7+$0x0], $0xffff;
	[tilespmem:s14+$0x10] =	vst v10  }
0x2a2: {  	v10 =	vshra.s32 v17, $0x2;
	v18 =	vand.u32 $0x18, v18;
	v17 =	vshll.u32 v17, $0x3;
	v21 =	vld.idx.msk [tilespmem:v21+s7+$0x0], $0xffff;
	[tilespmem:s14+$0x20] =	vst v11  }
0x2a3: {  	v11 =	vand.u32 $0x18, v17;
	v17 =	vshra.s32 v22, $0x2;
	v22 =	vshll.u32 v22, $0x3;
	v25 =	vld [tilespmem:s17+$0x40]  }
0x2a4: {  	s14 =	sadd.s32 $0x80, s14;
	v26 =	vshra.s32 v23, $0x2;
	v22 =	vand.u32 $0x18, v22;
	v23 =	vshll.u32 v23, $0x3;
	v27 =	vld [tilespmem:s17+$0xFFFFFFD0]  }
0x2a5: {  	v23 =	vand.u32 $0x18, v23;
	v28 =	vshra.s32 v24, $0x2;
	v24 =	vshll.u32 v24, $0x3;
	v29 =	vld [tilespmem:s14+$0x30]  }
0x2a6: {  	v19 =	vshll.u32 v19, $0x3;
	v13 =	vshll.u32 v13, $0x3;
	v24 =	vand.u32 $0x18, v24;
	v30 =	vld [tilespmem:s17+$0x50]  }
0x2a7: {  	v19 =	vand.u32 $0x18, v19;
	v13 =	vand.u32 $0x18, v13;
	v31 =	vld [tilespmem:s17+$0xFFFFFFE0]  }
0x2a8: {  	v19 =	vshra.s32 v20, v19;
	v13 =	vshra.s32 v21, v13;
	v32 =	vshra.s32 v25, $0x2;
	v33 =	vld [tilespmem:s17+$0x60]  }
0x2a9: {  	v19 =	vand.u32 $0xFF, v19;
	v13 =	vand.u32 $0xFF, v13;
	v20 =	vld [tilespmem:s17+$0xFFFFFF80];
	v21 =	vshra.s32 v27, $0x2  }
0x2aa: {  	vm0 =	vne.s32 v19, $0x0;
	vm1 =	vne.s32 v13, $0x0;
	v16 =	vld.idx.msk [tilespmem:v16+s7+$0x0], $0xffff;
	v13 =	vmul.f32 $9.900000090e-01, v29  }
0x2ab: {  	v19 =	vshll.u32 v25, $0x3;
	vm0 =	vmand vm0, vm1;
	v12 =	vld.idx.msk [tilespmem:v12+s7+$0x0], $0xffff;
	v25 =	vshra.s32 v30, $0x2  }
0x2ac: {  	v27 =	vshll.u32 v27, $0x3;
	v8 =	vld.idx.msk [tilespmem:v8+s7+$0x0], $0xffff;
	v34 =	vshra.s32 v31, $0x2;
	v13 =	vsel vm0, v29, v13  }
0x2ad: {  	v29 =	vshll.u32 v30, $0x3;
	v15 =	vld.idx.msk [tilespmem:v15+s7+$0x0], $0xffff;
	v30 =	vshra.s32 v33, $0x2;
	vm0 =	vge.f32 v13, $9.999999770e-03  }
0x2ae: {  	v35 =	vshra.s32 v20, $0x2;
	v20 =	vshll.u32 v20, $0x3;
	v10 =	vld.idx.msk [tilespmem:v10+s7+$0x0], $0xffff;
	v13 =	vnsel vm0, $0x0, v13  }
0x2af: {  	v31 =	vshll.u32 v31, $0x3;
	v33 =	vshll.u32 v33, $0x3;
	v20 =	vand.u32 $0x18, v20;
	v17 =	vld.idx.msk [tilespmem:v17+s7+$0x0], $0xffff;
	[tilespmem:s14+$0x30] =	vst v13  }
0x2b0: {  	v19 =	vand.u32 $0x18, v19;
	v13 =	vld.idx.msk [tilespmem:v26+s7+$0x0], $0xffff;
	v26 =	vand.u32 $0x18, v27;
	v27 =	vand.u32 $0x18, v29  }
0x2b1: {  	v7 =	vshra.s32 v16, v7;
	v29 =	vand.u32 $0x18, v33;
	v16 =	vld.idx.msk [tilespmem:v28+s7+$0x0], $0xffff;
	v28 =	vand.u32 $0x18, v31  }
0x2b2: {  	v7 =	vand.u32 $0xFF, v7;
	v12 =	vshra.s32 v12, v14;
	v8 =	vshra.s32 v8, v9;
	v9 =	vld.idx.msk [tilespmem:v32+s7+$0x0], $0xffff  }
0x2b3: {  	v12 =	vand.u32 $0xFF, v12;
	v8 =	vand.u32 $0xFF, v8;
	v15 =	vshra.s32 v15, v18;
	v14 =	vld.idx.msk [tilespmem:v35+s7+$0x0], $0xffff  }
0x2b4: {  	vm0 =	vne.s32 v7, $0x0;
	v7 =	vand.u32 $0xFF, v15;
	v10 =	vshra.s32 v10, v11;
	v11 =	vld.idx.msk [tilespmem:v21+s7+$0x0], $0xffff  }
0x2b5: {  	vm1 =	vne.s32 v12, $0x0;
	v10 =	vand.u32 $0xFF, v10;
	v12 =	vshra.s32 v17, v22;
	v15 =	vld.idx.msk [tilespmem:v25+s7+$0x0], $0xffff  }
0x2b6: {  	vm2 =	vne.s32 v8, $0x0;
	v8 =	vand.u32 $0xFF, v12;
	v12 =	vshra.s32 v13, v23;
	v13 =	vld.idx.msk [tilespmem:v34+s7+$0x0], $0xffff  }
0x2b7: {  	vm3 =	vne.s32 v7, $0x0;
	v12 =	vand.u32 $0xFF, v12;
	v7 =	vshra.s32 v16, v24;
	v16 =	vld.idx.msk [tilespmem:v30+s7+$0x0], $0xffff  }
0x2b8: {  	vm4 =	vne.s32 v10, $0x0;
	v10 =	vand.u32 $0xFF, v7;
	v7 =	vshra.s32 v9, v19;
	v18 =	vld [tilespmem:s14+$0xFFFFFFC0]  }
0x2b9: {  	vm5 =	vne.s32 v8, $0x0;
	v9 =	vshra.s32 v14, v20;
	v14 =	vand.u32 $0xFF, v7;
	v19 =	vld [tilespmem:s14+$0xFFFFFFD0]  }
0x2ba: {  	vm6 =	vne.s32 v12, $0x0;
	v8 =	vand.u32 $0xFF, v9;
	v9 =	vshra.s32 v11, v26;
	v7 =	vld [tilespmem:s14+$0xFFFFFFE0]  }
0x2bb: {  	vm7 =	vne.s32 v8, $0x0;
	v11 =	vand.u32 $0xFF, v9;
	v12 =	vshra.s32 v15, v27;
	v8 =	vld [tilespmem:s14+$0xFFFFFFF0]  }
0x2bc: {  	vm8 =	vne.s32 v10, $0x0;
	v12 =	vand.u32 $0xFF, v12;
	v13 =	vshra.s32 v13, v28;
	v9 =	vld [tilespmem:s14+$0x0]  }
0x2bd: {  	vm9 =	vne.s32 v14, $0x0;
	v13 =	vand.u32 $0xFF, v13;
	v14 =	vshra.s32 v16, v29;
	v10 =	vld [tilespmem:s14+$0x10]  }
0x2be: {  	vm10 =	vne.s32 v11, $0x0;
	vm11 =	vne.s32 v12, $0x0;
	v12 =	vand.u32 $0xFF, v14;
	v11 =	vld [tilespmem:s14+$0x20]  }
0x2bf: {  	v16 =	vmul.f32 $9.900000090e-01, v18;
	vm12 =	vne.s32 v13, $0x0;
	vm13 =	vne.s32 v12, $0x0  }
.Ltmp6:
0x2c0: {  	vm7 =	vmand vm7, vm0;
	v20 =	vmul.f32 $9.900000090e-01, v19;
	v15 =	vmul.f32 $9.900000090e-01, v7;
	(pc) =	sbr.rel @p2 .LBB2_15-.Ltmp6, $4  }
0x2c1: {  	vm1 =	vmand vm1, vm2;
	v17 =	vmul.f32 $9.900000090e-01, v8;
	v13 =	vmul.f32 $9.900000090e-01, v9  }
0x2c2: {  	vm4 =	vmand vm3, vm4;
	vm2 =	vmand vm5, vm6;
	v12 =	vmul.f32 $9.900000090e-01, v10  }
0x2c3: {  	vm3 =	vmand vm8, vm9;
	vm0 =	vmand vm10, vm11;
	v14 =	vmul.f32 $9.900000090e-01, v11  }
0x2c4: {  	s17 =	sadd.s32 $0x100, s17;
	v18 =	vsel vm7, v18, v16;
	v16 =	vsel vm1, v19, v20;
	vm1 =	vmand vm12, vm13  }
0x2c5: {  	vm5 =	vge.f32 v18, $9.999999770e-03  }
0x2c6: {  	v7 =	vsel vm4, v7, v15;
	vm10 =	vge.f32 v16, $9.999999770e-03;
	v63 =	vnsel vm5, $0x0, v18  }
0x2c7: {  	v8 =	vsel vm2, v8, v17;
	vm11 =	vge.f32 v7, $9.999999770e-03;
	v16 =	vnsel vm10, $0x0, v16;
	[tilespmem:s14+$0xFFFFFFC0] =	vst v63  }
0x2c8: {  	v9 =	vsel vm3, v9, v13;
	vm12 =	vge.f32 v8, $9.999999770e-03;
	v7 =	vnsel vm11, $0x0, v7;
	[tilespmem:s14+$0xFFFFFFD0] =	vst v16  }
0x2c9: {  	v10 =	vsel vm0, v10, v12;
	vm13 =	vge.f32 v9, $9.999999770e-03;
	v8 =	vnsel vm12, $0x0, v8;
	[tilespmem:s14+$0xFFFFFFE0] =	vst v7  }
0x2ca: {  	vm14 =	vge.f32 v10, $9.999999770e-03;
	v9 =	vnsel vm13, $0x0, v9;
	v7 =	vsel vm1, v11, v14;
	[tilespmem:s14+$0xFFFFFFF0] =	vst v8  }
0x2cb: {  	v8 =	vnsel vm14, $0x0, v10;
	[tilespmem:s14+$0x0] =	vst v9;
	vm15 =	vge.f32 v7, $9.999999770e-03  }
0x2cc: {  	[tilespmem:s14+$0x10] =	vst v8;
	v7 =	vnsel vm15, $0x0, v7  }
0x2cd: {  	s24 =	sadd.s32 s3, s22;
	[tilespmem:s14+$0x20] =	vst v7;
	s14 =	sadd.s32 @!p1 $0x168, s21  }
0x2ce: {  	[hbm4b:s24+s7] =	stream.linear.scatter [tilespmem:s31], [sflag:$0xA], $0x1680, $0x38;
	[tilespmem:$0x1EA90] =	vst v63  }
0x2cf: {  	p2 =	slt.s32 @!p1 s14, s9  }
0x2d0: {  	p2 =	por !p2, p1  }
0x2d1: {  	s15 =	simm.s32 @!p1 $0x9;
	s14 =	smov.u32 @p2 s9  }
0x2d2: {  	_ =	swait.ge @!p1 [sflag:s15], $0x1680;
	s14 =	sadd.s32 @!p1 s8, s14  }
0x2d3: {  	[sflag:s15] =	ssyncset.done @!p1 $0x0;
	s17 =	sshll.u32 @!p1 s14, $0x5  }
0x2d4: {  	s18 =	simm.s32 @!p1 $0x16390;
	[sflag:s15] =	ssyncadd.s32 @!p1 $0xFFFFE980;
	s15 =	sand.u32 @!p1 $0x1FFFFFE0, s17  }
0x2d5: {  	s14 =	sshll.u32 @!p1 s14, $0x4;
	s17 =	simm.s32 @!p1 $0x0;
	s15 =	sadd.s32 @!p1 s1, s15  }
0x2d6: {  	[tilespmem:s18], [sflag:$0x4] =	stream.linear.gather @!p1 [hbm4b:s15+s17], $0x2D00, $0x38;
	[tilespmem:$0x1EA90] =	vst v63  }
0x2d7: {  	p2 =	sne.s32 @!p1 s23, $0x7;
	s14 =	sadd.s32 @!p1 s0, s14;
	s15 =	simm.s32 @!p1 $0x19090  }
0x2d8: {  	[tilespmem:s15], [sflag:$0x4] =	stream.linear.gather @!p1 [hbm4b:s14+s17], $0x1680, $0x38;
	[tilespmem:$0x1EA90] =	vst v63  }
0x2d9: {  	p1 =	por p1, !p2  }
.Ltmp7:
0x2da: {  	_ = 	snop;
	(pc) =	sbr.rel @!p1 .LBB2_6-.Ltmp7, $1  }
0x2db: {  	_ =	sdelay $0x3  }
0x2dc: {  	s14 =	simm.s32 $0x6  }
0x2dd: {  	_ =	swait.ge [sflag:s14], $0x1680  }
0x2de: {  	[sflag:s14] =	ssyncset.done $0x0  }
0x2df: {  	s21 =	simm.s32 $0x7;
	[sflag:s14] =	ssyncadd.s32 $0xFFFFE980  }
0x2e0: {  	_ =	swait.ge [sflag:s21], $0x1680  }
0x2e1: {  	[sflag:s21] =	ssyncset.done $0x0  }
0x2e2: {  	s22 =	simm.s32 $0x8;
	[sflag:s21] =	ssyncadd.s32 $0xFFFFE980  }
0x2e3: {  	_ =	swait.ge [sflag:s22], $0x1680  }
0x2e4: {  	[sflag:s22] =	ssyncset.done $0x0  }
0x2e5: {  	s23 =	simm.s32 $0x9;
	[sflag:s22] =	ssyncadd.s32 $0xFFFFE980  }
0x2e6: {  	_ =	swait.ge [sflag:s23], $0x1680  }
0x2e7: {  	[sflag:s23] =	ssyncset.done $0x0  }
0x2e8: {  	s15 =	simm.s32 $0xA;
	[sflag:s23] =	ssyncadd.s32 $0xFFFFE980  }
0x2e9: {  	_ =	swait.ge [sflag:s15], $0x1680  }
0x2ea: {  	s20 =	sadd.s32 $0x1, s20;
	s24 =	rddreg [dreg:$0x11]  }
0x2eb: {  	p1 =	sne.s32 s20, s24  }
.Ltmp8:
0x2ec: {  	_ = 	snop;
	(pc) =	sbr.rel @p1 .LBB2_1-.Ltmp8, $3  }
0x2ed: {  	_ =	sdelay $0x1  }
0x2ee: {  	[sflag:s15] =	ssyncset.done $0x0  }
0x2ef: {  	[sflag:s15] =	ssyncadd.s32 $0xFFFFE980  }
0x2f0: {  	_ =	sfence.sel $0x180000  }
0x2f1: {  	[bflag:$0x0] =	sbarrier.arrive $0xFFFF  }
0x2f2: {  	_ =	strace $0x90000047  }
0x2f3: {  	[bflag:$0x2] =	sbarrier.arrive $0xFFFF  }
0x2f4: {  	s0 =	rddreg [dreg:$0x6]  }
0x2f5: {  	s0 =	sadd.s32 @!p0 $0x100000, s0  }
0x2f6: {  	[sflag:s0] =	ssyncadd.tile.s32 @!p0 $0x1;
	_ =	shalt  }
.Lfunc_end2:
_tile_overlayer_lowered:
.L_overlay_start_2:
0x2f7: {  	(tag) =	ssettag $0x2  }
0x2f8: {  	s0 =	rddreg [dreg:$0x0];
	s2 =	stileid.u32  }
0x2f9: {  	s1 =	rddreg [dreg:$0x1];
	p0 =	sne.s32 s2, $0x0  }
0x2fa: {  	s3 =	rddreg [dreg:$0x2];
	[bflag:$0x3] =	sbarrier.arrive $0xFFFF;
	s2 =	simm.s32 @!p0 $0x1C0B  }
0x2fb: {  	[timem:s3], [sflag:s2] =	dma.local @!p0 [hbm:s0], s1  }
0x2fc: {  	s0 =	simm.s32 @!p0 $0xB  }
0x2fd: {  	_ =	swait.ge @!p0 [sflag:s0], s1  }
0x2fe: {  	s1 =	ssub.s32 @!p0 $0x0, s1;
	[sflag:s0] =	ssyncset.done @!p0 $0x0  }
0x2ff: {  	[sflag:s0] =	ssyncadd.s32 @!p0 s1  }
0x300: {  	[bflag:$0x3] =	sbarrier.arrive $0xFFFF  }
0x301: {  	_ =	shalt  }

</sc_bundles>
